<compile_context>
chip_gen: v7x
topology: tpu7x:2x2x1
jax: 0.10.2.dev20260603
libtpu: 0.0.44.dev20260713+nightly
codegen_flags: <defaults>
</compile_context>

<pallas_src>
import functools

import jax
import jax.numpy as jnp
from jax import lax
from jax.experimental import pallas as pl
from jax.experimental.pallas import tpu as pltpu
from jax.experimental.pallas import tpu_sc as plsc

_N = 8192
_K = 256
_C = 8192
_COMMITMENT_COST = 0.25

_W = 4096
_BI = 1024
_NI = _N // _BI
_BIG = 2 ** 30


def _bf16_round(v):
    return v.astype(jnp.bfloat16).astype(jnp.float32)


def _window_argmin(d, base):
    col0 = lax.broadcasted_iota(jnp.int32, (1, 128), 1)
    vparts = [lax.slice_in_dim(d, k * 128, (k + 1) * 128, axis=1)
              for k in range(_W // 128)]
    iparts = [(col0 + (base + k * 128)).astype(jnp.float32)
              for k in range(_W // 128)]
    while len(vparts) > 1:
        nv, ni = [], []
        for a, b, ai, bi in zip(vparts[::2], vparts[1::2],
                                iparts[::2], iparts[1::2]):
            upd = b < a
            nv.append(jnp.where(upd, b, a))
            ni.append(jnp.where(upd, bi, ai))
        vparts, iparts = nv, ni
    vf, jf = vparts[0], iparts[0]
    wv = jnp.min(vf, axis=1)
    wi = jnp.min(jnp.where(vf == wv[:, None], jf, float(_BIG)),
                 axis=1).astype(jnp.int32)
    return wv, wi


def _argmin_tile(x_ref, e_vmem, x2_ref, e2_ref, idx_ref, val_ref):
    sv = si = fv = None
    x2x = x_ref[...] + x_ref[...]
    for w in range(2):
        m2 = lax.dot_general(x2x, e_vmem[pl.ds(w * _W, _W), :],
                             (((1,), (1,)), ((), ())),
                             preferred_element_type=jnp.float32)
        t = x2_ref[...] + e2_ref[:, pl.ds(w * _W, _W)]
        d = t - m2
        wv, wi = _window_argmin(d, w * _W)
        if w == 0:
            sv, si, fv = _bf16_round(wv), wi, wv
        else:
            take = (wv < sv) | ((wv == sv) & (wi < si))
            idx_ref[0, 0, :] = jnp.where(take, wi, si)
            val_ref[0, 0, :] = jnp.where(take, wv, fv)


def _argmin_call(flat, emb2x, x2, e2, interpret=False):
    ni = flat.shape[0] // _BI
    return pl.pallas_call(
        _argmin_tile,
        grid=(ni,),
        in_specs=[
            pl.BlockSpec((_BI, _K), lambda i: (i, 0)),
            pl.BlockSpec((_C, _K), lambda i: (0, 0)),
            pl.BlockSpec((_BI, 1), lambda i: (i, 0)),
            pl.BlockSpec((1, _C), lambda i: (0, 0)),
        ],
        out_specs=[
            pl.BlockSpec((1, 1, _BI), lambda i: (i, 0, 0)),
            pl.BlockSpec((1, 1, _BI), lambda i: (i, 0, 0)),
        ],
        out_shape=[
            jax.ShapeDtypeStruct((ni, 1, _BI), jnp.int32),
            jax.ShapeDtypeStruct((ni, 1, _BI), jnp.float32),
        ],
        compiler_params=pltpu.CompilerParams(
            dimension_semantics=("parallel",)),
        interpret=interpret,
    )(flat, emb2x, x2, e2)


def _gather_rows(emb, idx):
    n = idx.shape[0]
    info = plsc.get_sparse_core_info()
    nc, ns = info.num_cores, info.num_subcores
    nw = nc * ns
    b_per_w = n // nw
    mesh = plsc.VectorSubcoreMesh(core_axis_name="c", subcore_axis_name="s")

    @functools.partial(
        pl.kernel, mesh=mesh,
        out_type=jax.ShapeDtypeStruct((n, _K), jnp.float32),
        scratch_types=[
            pltpu.VMEM((b_per_w,), jnp.int32),
            pltpu.VMEM((b_per_w, _K), jnp.float32),
            pltpu.SemaphoreType.DMA,
        ],
    )
    def gather_k(emb_hbm, idx_hbm, out_hbm, idx_v, rows_v, sem):
        wid = lax.axis_index("s") * nc + lax.axis_index("c")
        base = wid * b_per_w
        pltpu.sync_copy(idx_hbm.at[pl.ds(base, b_per_w)], idx_v)
        pltpu.async_copy(emb_hbm.at[idx_v], rows_v, sem).wait()
        pltpu.sync_copy(rows_v, out_hbm.at[pl.ds(base, b_per_w)])

    return gather_k(emb, idx)


def kernel(x, emb):
    flat = x.reshape(_N, _K)
    x2 = jnp.sum(flat ** 2, axis=1, keepdims=True)
    e2 = jnp.sum(emb ** 2, axis=1).reshape(1, _C)
    idx3, val3 = _argmin_call(flat, emb, x2, e2)
    idx = idx3.reshape(_N)
    minval = val3.reshape(_N)

    quantized = _gather_rows(emb, idx).reshape(x.shape)

    mse = jnp.sum(minval) / (_N * _K)
    loss = mse + _COMMITMENT_COST * mse
    quantized_st = x + (quantized - x)
    return quantized_st, loss, idx.reshape(x.shape[0], x.shape[1], x.shape[2])

# --- scband reference (transcript-rebuilt; emitter-appended) ---
"""Pipeline reference for scband-vector-quantizer-1494648619464 (READ-ONLY COPY).

The authoritative reference and input builder live on the scoring server;
editing this copy changes nothing except your own understanding.
"""

import jax, jax.numpy as jnp
import numpy as np

NUM_EMBEDDINGS = 8192
EMBEDDING_DIM = 256
COMMITMENT_COST = 0.25


def setup_inputs(seed: int = 0) -> dict:
    key = jax.random.key(seed)
    k1, k2 = jax.random.split(key)
    x = jax.random.normal(k1, (8, 32, 32, EMBEDDING_DIM), dtype=jnp.float32)
    # embedding.weight.data.uniform_(-1/num_embeddings, 1/num_embeddings)
    emb = jax.random.uniform(
        k2, (NUM_EMBEDDINGS, EMBEDDING_DIM), dtype=jnp.float32,
        minval=-1.0 / NUM_EMBEDDINGS, maxval=1.0 / NUM_EMBEDDINGS)
    return {"x": x, "emb": emb}


def reference(x, emb):
    flat_input = x.reshape(-1, EMBEDDING_DIM)
    distances = (jnp.sum(flat_input ** 2, axis=1, keepdims=True)
                 + jnp.sum(emb ** 2, axis=1)
                 - 2.0 * jnp.matmul(flat_input, emb.T))
    encoding_indices = jnp.argmin(distances, axis=1)
    encodings = jax.nn.one_hot(encoding_indices, NUM_EMBEDDINGS, dtype=flat_input.dtype)
    quantized = jnp.matmul(encodings, emb).reshape(x.shape)
    e_latent_loss = jnp.mean((jax.lax.stop_gradient(quantized) - x) ** 2)
    q_latent_loss = jnp.mean((quantized - jax.lax.stop_gradient(x)) ** 2)
    loss = q_latent_loss + COMMITMENT_COST * e_latent_loss
    quantized_st = x + jax.lax.stop_gradient(quantized - x)
    return (quantized_st, loss,
            encoding_indices.reshape(x.shape[0], x.shape[1], x.shape[2]))

if __name__ == "__main__":
    import jax
    _d = setup_inputs()
    print(jax.jit(kernel)(*tuple(_d.values())))

</pallas_src>

<mosaic_0001>
#map = affine_map<(d0, d1) -> (0, 0)>
#map1 = affine_map<(d0, d1) -> (0)>
module attributes {stable_mosaic.version = 14 : i64} {
  func.func @gather_k(%arg0: i32, %arg1: i32, %arg2: memref<8192x256xf32, #tpu.memory_space<hbm>>, %arg3: memref<8192xi32, #tpu.memory_space<hbm>>, %arg4: memref<8192x256xf32, #tpu.memory_space<hbm>>, %arg5: memref<256xi32, #tpu.memory_space<vmem>>, %arg6: memref<256x256xf32, #tpu.memory_space<vmem>>, %arg7: memref<!tpu.dma_semaphore, #tpu.memory_space<semaphore_mem>>) attributes {dimension_semantics = [#tpu.dimension_semantics<core_parallel>, #tpu.dimension_semantics<subcore_parallel>], iteration_bounds = array<i64: 2, 16>, scalar_prefetch = 0 : i64, scratch_operands = 3 : i64, tpu.core_type = #tpu.core_type<sc_vector_subcore>, window_params = [{transform_indices = #map}, {transform_indices = #map1}, {transform_indices = #map}]} {
    %mul3A = arith.constant 2 : i32
    %mul3A_0 = arith.muli %arg1, %mul3A : i32
    %add3A = arith.addi %mul3A_0, %arg0 : i32
    %mul3A_1 = arith.constant 256 : i32
    %mul3A_2 = arith.muli %add3A, %mul3A_1 : i32
    "tpu.region"() ({
      %run_scoped3A = tpu.sem_alloc : memref<!tpu.dma_semaphore, #tpu.memory_space<semaphore_mem>>
      %dma_start3A_7 = tpu.memref_slice %arg3[%mul3A_2] : memref<8192xi32, #tpu.memory_space<hbm>> -> memref<256xi32, #tpu.memory_space<hbm>>
      %dma_start3A_8 = tpu.memref_slice %arg3[%mul3A_2] : memref<8192xi32, #tpu.memory_space<hbm>> -> memref<256xi32, #tpu.memory_space<hbm>>
      tpu.enqueue_dma source(%dma_start3A_8 : memref<256xi32, #tpu.memory_space<hbm>>) target(%arg5 : memref<256xi32, #tpu.memory_space<vmem>>) target_semaphore(%run_scoped3A : memref<!tpu.dma_semaphore, #tpu.memory_space<semaphore_mem>>)
      %dma_wait3A_9 = tpu.memref_slice %arg3[%mul3A_2] : memref<8192xi32, #tpu.memory_space<hbm>> -> memref<256xi32, #tpu.memory_space<hbm>>
      %dma_wait3A_10 = tpu.memref_slice %arg3[%mul3A_2] : memref<8192xi32, #tpu.memory_space<hbm>> -> memref<256xi32, #tpu.memory_space<hbm>>
      tpu.wait_dma2 semaphore(%run_scoped3A : memref<!tpu.dma_semaphore, #tpu.memory_space<semaphore_mem>>) src(%dma_wait3A_10 : memref<256xi32, #tpu.memory_space<hbm>>) dst(%arg5 : memref<256xi32, #tpu.memory_space<vmem>>)
      tpu.yield
    }) : () -> ()
    %dma_start3A = arith.constant 0 : i32
    %dma_start3A_3 = arith.constant 0 : i32
    %dma_start3A_4 = tpu.memref_slice %arg2[%dma_start3A, %dma_start3A_3] : memref<8192x256xf32, #tpu.memory_space<hbm>> -> memref<8192x256xf32, #tpu.memory_space<hbm>>
    tpu.enqueue_indirect_dma source(%dma_start3A_4 : memref<8192x256xf32, #tpu.memory_space<hbm>>) target(%arg6 : memref<256x256xf32, #tpu.memory_space<vmem>>) offsets(%arg5 : memref<256xi32, #tpu.memory_space<vmem>>) semaphore(%arg7 : memref<!tpu.dma_semaphore, #tpu.memory_space<semaphore_mem>>)
    %dma_wait3A = arith.constant 0 : i32
    %dma_wait3A_5 = arith.constant 0 : i32
    %dma_wait3A_6 = tpu.memref_slice %arg2[%dma_wait3A, %dma_wait3A_5] : memref<8192x256xf32, #tpu.memory_space<hbm>> -> memref<8192x256xf32, #tpu.memory_space<hbm>>
    tpu.wait_indirect_dma semaphore(%arg7 : memref<!tpu.dma_semaphore, #tpu.memory_space<semaphore_mem>>) src(%dma_wait3A_6 : memref<8192x256xf32, #tpu.memory_space<hbm>>) dst(%arg6 : memref<256x256xf32, #tpu.memory_space<vmem>>)
    "tpu.region"() ({
      %run_scoped3A = tpu.sem_alloc : memref<!tpu.dma_semaphore, #tpu.memory_space<semaphore_mem>>
      %dma_start3A_7 = arith.constant 0 : i32
      %dma_start3A_8 = tpu.memref_slice %arg4[%mul3A_2, %dma_start3A_7] : memref<8192x256xf32, #tpu.memory_space<hbm>> -> memref<256x256xf32, #tpu.memory_space<hbm>>
      %dma_start3A_9 = arith.constant 0 : i32
      %dma_start3A_10 = tpu.memref_slice %arg4[%mul3A_2, %dma_start3A_9] : memref<8192x256xf32, #tpu.memory_space<hbm>> -> memref<256x256xf32, #tpu.memory_space<hbm>>
      tpu.enqueue_dma source(%arg6 : memref<256x256xf32, #tpu.memory_space<vmem>>) target(%dma_start3A_10 : memref<256x256xf32, #tpu.memory_space<hbm>>) target_semaphore(%run_scoped3A : memref<!tpu.dma_semaphore, #tpu.memory_space<semaphore_mem>>)
      %dma_wait3A_11 = arith.constant 0 : i32
      %dma_wait3A_12 = tpu.memref_slice %arg4[%mul3A_2, %dma_wait3A_11] : memref<8192x256xf32, #tpu.memory_space<hbm>> -> memref<256x256xf32, #tpu.memory_space<hbm>>
      %dma_wait3A_13 = arith.constant 0 : i32
      %dma_wait3A_14 = tpu.memref_slice %arg4[%mul3A_2, %dma_wait3A_13] : memref<8192x256xf32, #tpu.memory_space<hbm>> -> memref<256x256xf32, #tpu.memory_space<hbm>>
      tpu.wait_dma2 semaphore(%run_scoped3A : memref<!tpu.dma_semaphore, #tpu.memory_space<semaphore_mem>>) src(%arg6 : memref<256x256xf32, #tpu.memory_space<vmem>>) dst(%dma_wait3A_14 : memref<256x256xf32, #tpu.memory_space<hbm>>)
      tpu.yield
    }) : () -> ()
    return
  }
}

module attributes {stable_mosaic.version = 14 : i64} {
  func.func @_argmin_tile(%arg0: i32, %arg1: memref<1024x256xf32, #tpu.memory_space<vmem>>, %arg2: memref<8192x256xf32, #tpu.memory_space<vmem>>, %arg3: memref<1024x1xf32, #tpu.memory_space<vmem>>, %arg4: memref<1x8192xf32, #tpu.memory_space<vmem>>, %arg5: memref<1x1x1024xi32, #tpu.memory_space<vmem>>, %arg6: memref<1x1x1024xf32, #tpu.memory_space<vmem>>) attributes {dimension_semantics = [#tpu.dimension_semantics<parallel>], iteration_bounds = array<i64: 8>, scalar_prefetch = 0 : i64, scratch_operands = 0 : i64, tpu.core_type = #tpu.core_type<tc>, window_params = [{transform_indices = @transform_0, window_bounds = array<i64: 1024, 256>}, {pipeline_mode = #tpu.pipeline_mode<synchronous>, transform_indices = @transform_1, window_bounds = array<i64: 8192, 256>}, {transform_indices = @transform_2, window_bounds = array<i64: 1024, 1>}, {pipeline_mode = #tpu.pipeline_mode<synchronous>, transform_indices = @transform_3, window_bounds = array<i64: 1, 8192>}, {transform_indices = @transform_4, window_bounds = array<i64: 1, 1, 1024>}, {transform_indices = @transform_5, window_bounds = array<i64: 1, 1, 1024>}]} {
    %get3A = arith.constant 0 : index
    %get3A_0 = arith.constant 0 : index
    %get3A_1 = vector.load %arg1[%get3A, %get3A_0] : memref<1024x256xf32, #tpu.memory_space<vmem>>, vector<1024x256xf32>
    %get3A_2 = arith.constant 0 : index
    %get3A_3 = arith.constant 0 : index
    %get3A_4 = vector.load %arg1[%get3A_2, %get3A_3] : memref<1024x256xf32, #tpu.memory_space<vmem>>, vector<1024x256xf32>
    %add3A = arith.addf %get3A_1, %get3A_4 : vector<1024x256xf32>
    %get3A_5 = arith.constant 0 : index
    %get3A_6 = arith.constant 0 : index
    %get3A_7 = vector.load %arg2[%get3A_5, %get3A_6] : memref<8192x256xf32, #tpu.memory_space<vmem>>, vector<4096x256xf32>
    %dot_general3A = arith.constant dense<0.000000e+00> : vector<1024x4096xf32>
    %dot_general3A_8 = tpu.matmul %add3A, %get3A_7, %dot_general3A {dimension_numbers = #tpu.dot_dimension_numbers<[1], [1], [0], [0], [0, 0, 1, 0], [], []>, transpose_lhs_hint = false} : vector<1024x256xf32>, vector<4096x256xf32>, vector<1024x4096xf32> -> vector<1024x4096xf32>
    %get3A_9 = arith.constant 0 : index
    %get3A_10 = arith.constant 0 : index
    %get3A_11 = vector.load %arg3[%get3A_9, %get3A_10] : memref<1024x1xf32, #tpu.memory_space<vmem>>, vector<1024x1xf32>
    %get3A_12 = arith.constant 0 : index
    %get3A_13 = arith.constant 0 : index
    %get3A_14 = vector.load %arg4[%get3A_12, %get3A_13] : memref<1x8192xf32, #tpu.memory_space<vmem>>, vector<1x4096xf32>
    %add3A_15 = vector.broadcast %get3A_11 : vector<1024x1xf32> to vector<1024x4096xf32>
    %add3A_16 = vector.broadcast %get3A_14 : vector<1x4096xf32> to vector<1024x4096xf32>
    %add3A_17 = arith.addf %add3A_15, %add3A_16 : vector<1024x4096xf32>
    %sub3A = arith.subf %add3A_17, %dot_general3A_8 : vector<1024x4096xf32>
    %iota3A = tpu.iota {dimensions = array<i32: 1>} : vector<1x128xi32>
    %slice3A = vector.extract_strided_slice %sub3A {offsets = [0, 0], sizes = [1024, 128], strides = [1, 1]} : vector<1024x4096xf32> to vector<1024x128xf32>
    %slice3A_18 = vector.extract_strided_slice %sub3A {offsets = [0, 128], sizes = [1024, 128], strides = [1, 1]} : vector<1024x4096xf32> to vector<1024x128xf32>
    %slice3A_19 = vector.extract_strided_slice %sub3A {offsets = [0, 256], sizes = [1024, 128], strides = [1, 1]} : vector<1024x4096xf32> to vector<1024x128xf32>
    %slice3A_20 = vector.extract_strided_slice %sub3A {offsets = [0, 384], sizes = [1024, 128], strides = [1, 1]} : vector<1024x4096xf32> to vector<1024x128xf32>
    %slice3A_21 = vector.extract_strided_slice %sub3A {offsets = [0, 512], sizes = [1024, 128], strides = [1, 1]} : vector<1024x4096xf32> to vector<1024x128xf32>
    %slice3A_22 = vector.extract_strided_slice %sub3A {offsets = [0, 640], sizes = [1024, 128], strides = [1, 1]} : vector<1024x4096xf32> to vector<1024x128xf32>
    %slice3A_23 = vector.extract_strided_slice %sub3A {offsets = [0, 768], sizes = [1024, 128], strides = [1, 1]} : vector<1024x4096xf32> to vector<1024x128xf32>
    %slice3A_24 = vector.extract_strided_slice %sub3A {offsets = [0, 896], sizes = [1024, 128], strides = [1, 1]} : vector<1024x4096xf32> to vector<1024x128xf32>
    %slice3A_25 = vector.extract_strided_slice %sub3A {offsets = [0, 1024], sizes = [1024, 128], strides = [1, 1]} : vector<1024x4096xf32> to vector<1024x128xf32>
    %slice3A_26 = vector.extract_strided_slice %sub3A {offsets = [0, 1152], sizes = [1024, 128], strides = [1, 1]} : vector<1024x4096xf32> to vector<1024x128xf32>
    %slice3A_27 = vector.extract_strided_slice %sub3A {offsets = [0, 1280], sizes = [1024, 128], strides = [1, 1]} : vector<1024x4096xf32> to vector<1024x128xf32>
    %slice3A_28 = vector.extract_strided_slice %sub3A {offsets = [0, 1408], sizes = [1024, 128], strides = [1, 1]} : vector<1024x4096xf32> to vector<1024x128xf32>
    %slice3A_29 = vector.extract_strided_slice %sub3A {offsets = [0, 1536], sizes = [1024, 128], strides = [1, 1]} : vector<1024x4096xf32> to vector<1024x128xf32>
    %slice3A_30 = vector.extract_strided_slice %sub3A {offsets = [0, 1664], sizes = [1024, 128], strides = [1, 1]} : vector<1024x4096xf32> to vector<1024x128xf32>
    %slice3A_31 = vector.extract_strided_slice %sub3A {offsets = [0, 1792], sizes = [1024, 128], strides = [1, 1]} : vector<1024x4096xf32> to vector<1024x128xf32>
    %slice3A_32 = vector.extract_strided_slice %sub3A {offsets = [0, 1920], sizes = [1024, 128], strides = [1, 1]} : vector<1024x4096xf32> to vector<1024x128xf32>
    %slice3A_33 = vector.extract_strided_slice %sub3A {offsets = [0, 2048], sizes = [1024, 128], strides = [1, 1]} : vector<1024x4096xf32> to vector<1024x128xf32>
    %slice3A_34 = vector.extract_strided_slice %sub3A {offsets = [0, 2176], sizes = [1024, 128], strides = [1, 1]} : vector<1024x4096xf32> to vector<1024x128xf32>
    %slice3A_35 = vector.extract_strided_slice %sub3A {offsets = [0, 2304], sizes = [1024, 128], strides = [1, 1]} : vector<1024x4096xf32> to vector<1024x128xf32>
    %slice3A_36 = vector.extract_strided_slice %sub3A {offsets = [0, 2432], sizes = [1024, 128], strides = [1, 1]} : vector<1024x4096xf32> to vector<1024x128xf32>
    %slice3A_37 = vector.extract_strided_slice %sub3A {offsets = [0, 2560], sizes = [1024, 128], strides = [1, 1]} : vector<1024x4096xf32> to vector<1024x128xf32>
    %slice3A_38 = vector.extract_strided_slice %sub3A {offsets = [0, 2688], sizes = [1024, 128], strides = [1, 1]} : vector<1024x4096xf32> to vector<1024x128xf32>
    %slice3A_39 = vector.extract_strided_slice %sub3A {offsets = [0, 2816], sizes = [1024, 128], strides = [1, 1]} : vector<1024x4096xf32> to vector<1024x128xf32>
    %slice3A_40 = vector.extract_strided_slice %sub3A {offsets = [0, 2944], sizes = [1024, 128], strides = [1, 1]} : vector<1024x4096xf32> to vector<1024x128xf32>
    %slice3A_41 = vector.extract_strided_slice %sub3A {offsets = [0, 3072], sizes = [1024, 128], strides = [1, 1]} : vector<1024x4096xf32> to vector<1024x128xf32>
    %slice3A_42 = vector.extract_strided_slice %sub3A {offsets = [0, 3200], sizes = [1024, 128], strides = [1, 1]} : vector<1024x4096xf32> to vector<1024x128xf32>
    %slice3A_43 = vector.extract_strided_slice %sub3A {offsets = [0, 3328], sizes = [1024, 128], strides = [1, 1]} : vector<1024x4096xf32> to vector<1024x128xf32>
    %slice3A_44 = vector.extract_strided_slice %sub3A {offsets = [0, 3456], sizes = [1024, 128], strides = [1, 1]} : vector<1024x4096xf32> to vector<1024x128xf32>
    %slice3A_45 = vector.extract_strided_slice %sub3A {offsets = [0, 3584], sizes = [1024, 128], strides = [1, 1]} : vector<1024x4096xf32> to vector<1024x128xf32>
    %slice3A_46 = vector.extract_strided_slice %sub3A {offsets = [0, 3712], sizes = [1024, 128], strides = [1, 1]} : vector<1024x4096xf32> to vector<1024x128xf32>
    %slice3A_47 = vector.extract_strided_slice %sub3A {offsets = [0, 3840], sizes = [1024, 128], strides = [1, 1]} : vector<1024x4096xf32> to vector<1024x128xf32>
    %slice3A_48 = vector.extract_strided_slice %sub3A {offsets = [0, 3968], sizes = [1024, 128], strides = [1, 1]} : vector<1024x4096xf32> to vector<1024x128xf32>
    %add3A_49 = arith.constant 0 : i32
    %add3A_50 = vector.broadcast %add3A_49 : i32 to vector<1x128xi32>
    %add3A_51 = arith.addi %iota3A, %add3A_50 : vector<1x128xi32>
    %convert_element_type3A = arith.sitofp %add3A_51 : vector<1x128xi32> to vector<1x128xf32>
    %add3A_52 = arith.constant 128 : i32
    %add3A_53 = vector.broadcast %add3A_52 : i32 to vector<1x128xi32>
    %add3A_54 = arith.addi %iota3A, %add3A_53 : vector<1x128xi32>
    %convert_element_type3A_55 = arith.sitofp %add3A_54 : vector<1x128xi32> to vector<1x128xf32>
    %add3A_56 = arith.constant 256 : i32
    %add3A_57 = vector.broadcast %add3A_56 : i32 to vector<1x128xi32>
    %add3A_58 = arith.addi %iota3A, %add3A_57 : vector<1x128xi32>
    %convert_element_type3A_59 = arith.sitofp %add3A_58 : vector<1x128xi32> to vector<1x128xf32>
    %add3A_60 = arith.constant 384 : i32
    %add3A_61 = vector.broadcast %add3A_60 : i32 to vector<1x128xi32>
    %add3A_62 = arith.addi %iota3A, %add3A_61 : vector<1x128xi32>
    %convert_element_type3A_63 = arith.sitofp %add3A_62 : vector<1x128xi32> to vector<1x128xf32>
    %add3A_64 = arith.constant 512 : i32
    %add3A_65 = vector.broadcast %add3A_64 : i32 to vector<1x128xi32>
    %add3A_66 = arith.addi %iota3A, %add3A_65 : vector<1x128xi32>
    %convert_element_type3A_67 = arith.sitofp %add3A_66 : vector<1x128xi32> to vector<1x128xf32>
    %add3A_68 = arith.constant 640 : i32
    %add3A_69 = vector.broadcast %add3A_68 : i32 to vector<1x128xi32>
    %add3A_70 = arith.addi %iota3A, %add3A_69 : vector<1x128xi32>
    %convert_element_type3A_71 = arith.sitofp %add3A_70 : vector<1x128xi32> to vector<1x128xf32>
    %add3A_72 = arith.constant 768 : i32
    %add3A_73 = vector.broadcast %add3A_72 : i32 to vector<1x128xi32>
    %add3A_74 = arith.addi %iota3A, %add3A_73 : vector<1x128xi32>
    %convert_element_type3A_75 = arith.sitofp %add3A_74 : vector<1x128xi32> to vector<1x128xf32>
    %add3A_76 = arith.constant 896 : i32
    %add3A_77 = vector.broadcast %add3A_76 : i32 to vector<1x128xi32>
    %add3A_78 = arith.addi %iota3A, %add3A_77 : vector<1x128xi32>
    %convert_element_type3A_79 = arith.sitofp %add3A_78 : vector<1x128xi32> to vector<1x128xf32>
    %add3A_80 = arith.constant 1024 : i32
    %add3A_81 = vector.broadcast %add3A_80 : i32 to vector<1x128xi32>
    %add3A_82 = arith.addi %iota3A, %add3A_81 : vector<1x128xi32>
    %convert_element_type3A_83 = arith.sitofp %add3A_82 : vector<1x128xi32> to vector<1x128xf32>
    %add3A_84 = arith.constant 1152 : i32
    %add3A_85 = vector.broadcast %add3A_84 : i32 to vector<1x128xi32>
    %add3A_86 = arith.addi %iota3A, %add3A_85 : vector<1x128xi32>
    %convert_element_type3A_87 = arith.sitofp %add3A_86 : vector<1x128xi32> to vector<1x128xf32>
    %add3A_88 = arith.constant 1280 : i32
    %add3A_89 = vector.broadcast %add3A_88 : i32 to vector<1x128xi32>
    %add3A_90 = arith.addi %iota3A, %add3A_89 : vector<1x128xi32>
    %convert_element_type3A_91 = arith.sitofp %add3A_90 : vector<1x128xi32> to vector<1x128xf32>
    %add3A_92 = arith.constant 1408 : i32
    %add3A_93 = vector.broadcast %add3A_92 : i32 to vector<1x128xi32>
    %add3A_94 = arith.addi %iota3A, %add3A_93 : vector<1x128xi32>
    %convert_element_type3A_95 = arith.sitofp %add3A_94 : vector<1x128xi32> to vector<1x128xf32>
    %add3A_96 = arith.constant 1536 : i32
    %add3A_97 = vector.broadcast %add3A_96 : i32 to vector<1x128xi32>
    %add3A_98 = arith.addi %iota3A, %add3A_97 : vector<1x128xi32>
    %convert_element_type3A_99 = arith.sitofp %add3A_98 : vector<1x128xi32> to vector<1x128xf32>
    %add3A_100 = arith.constant 1664 : i32
    %add3A_101 = vector.broadcast %add3A_100 : i32 to vector<1x128xi32>
    %add3A_102 = arith.addi %iota3A, %add3A_101 : vector<1x128xi32>
    %convert_element_type3A_103 = arith.sitofp %add3A_102 : vector<1x128xi32> to vector<1x128xf32>
    %add3A_104 = arith.constant 1792 : i32
    %add3A_105 = vector.broadcast %add3A_104 : i32 to vector<1x128xi32>
    %add3A_106 = arith.addi %iota3A, %add3A_105 : vector<1x128xi32>
    %convert_element_type3A_107 = arith.sitofp %add3A_106 : vector<1x128xi32> to vector<1x128xf32>
    %add3A_108 = arith.constant 1920 : i32
    %add3A_109 = vector.broadcast %add3A_108 : i32 to vector<1x128xi32>
    %add3A_110 = arith.addi %iota3A, %add3A_109 : vector<1x128xi32>
    %convert_element_type3A_111 = arith.sitofp %add3A_110 : vector<1x128xi32> to vector<1x128xf32>
    %add3A_112 = arith.constant 2048 : i32
    %add3A_113 = vector.broadcast %add3A_112 : i32 to vector<1x128xi32>
    %add3A_114 = arith.addi %iota3A, %add3A_113 : vector<1x128xi32>
    %convert_element_type3A_115 = arith.sitofp %add3A_114 : vector<1x128xi32> to vector<1x128xf32>
    %add3A_116 = arith.constant 2176 : i32
    %add3A_117 = vector.broadcast %add3A_116 : i32 to vector<1x128xi32>
    %add3A_118 = arith.addi %iota3A, %add3A_117 : vector<1x128xi32>
    %convert_element_type3A_119 = arith.sitofp %add3A_118 : vector<1x128xi32> to vector<1x128xf32>
    %add3A_120 = arith.constant 2304 : i32
    %add3A_121 = vector.broadcast %add3A_120 : i32 to vector<1x128xi32>
    %add3A_122 = arith.addi %iota3A, %add3A_121 : vector<1x128xi32>
    %convert_element_type3A_123 = arith.sitofp %add3A_122 : vector<1x128xi32> to vector<1x128xf32>
    %add3A_124 = arith.constant 2432 : i32
    %add3A_125 = vector.broadcast %add3A_124 : i32 to vector<1x128xi32>
    %add3A_126 = arith.addi %iota3A, %add3A_125 : vector<1x128xi32>
    %convert_element_type3A_127 = arith.sitofp %add3A_126 : vector<1x128xi32> to vector<1x128xf32>
    %add3A_128 = arith.constant 2560 : i32
    %add3A_129 = vector.broadcast %add3A_128 : i32 to vector<1x128xi32>
    %add3A_130 = arith.addi %iota3A, %add3A_129 : vector<1x128xi32>
    %convert_element_type3A_131 = arith.sitofp %add3A_130 : vector<1x128xi32> to vector<1x128xf32>
    %add3A_132 = arith.constant 2688 : i32
    %add3A_133 = vector.broadcast %add3A_132 : i32 to vector<1x128xi32>
    %add3A_134 = arith.addi %iota3A, %add3A_133 : vector<1x128xi32>
    %convert_element_type3A_135 = arith.sitofp %add3A_134 : vector<1x128xi32> to vector<1x128xf32>
    %add3A_136 = arith.constant 2816 : i32
    %add3A_137 = vector.broadcast %add3A_136 : i32 to vector<1x128xi32>
    %add3A_138 = arith.addi %iota3A, %add3A_137 : vector<1x128xi32>
    %convert_element_type3A_139 = arith.sitofp %add3A_138 : vector<1x128xi32> to vector<1x128xf32>
    %add3A_140 = arith.constant 2944 : i32
    %add3A_141 = vector.broadcast %add3A_140 : i32 to vector<1x128xi32>
    %add3A_142 = arith.addi %iota3A, %add3A_141 : vector<1x128xi32>
    %convert_element_type3A_143 = arith.sitofp %add3A_142 : vector<1x128xi32> to vector<1x128xf32>
    %add3A_144 = arith.constant 3072 : i32
    %add3A_145 = vector.broadcast %add3A_144 : i32 to vector<1x128xi32>
    %add3A_146 = arith.addi %iota3A, %add3A_145 : vector<1x128xi32>
    %convert_element_type3A_147 = arith.sitofp %add3A_146 : vector<1x128xi32> to vector<1x128xf32>
    %add3A_148 = arith.constant 3200 : i32
    %add3A_149 = vector.broadcast %add3A_148 : i32 to vector<1x128xi32>
    %add3A_150 = arith.addi %iota3A, %add3A_149 : vector<1x128xi32>
    %convert_element_type3A_151 = arith.sitofp %add3A_150 : vector<1x128xi32> to vector<1x128xf32>
    %add3A_152 = arith.constant 3328 : i32
    %add3A_153 = vector.broadcast %add3A_152 : i32 to vector<1x128xi32>
    %add3A_154 = arith.addi %iota3A, %add3A_153 : vector<1x128xi32>
    %convert_element_type3A_155 = arith.sitofp %add3A_154 : vector<1x128xi32> to vector<1x128xf32>
    %add3A_156 = arith.constant 3456 : i32
    %add3A_157 = vector.broadcast %add3A_156 : i32 to vector<1x128xi32>
    %add3A_158 = arith.addi %iota3A, %add3A_157 : vector<1x128xi32>
    %convert_element_type3A_159 = arith.sitofp %add3A_158 : vector<1x128xi32> to vector<1x128xf32>
    %add3A_160 = arith.constant 3584 : i32
    %add3A_161 = vector.broadcast %add3A_160 : i32 to vector<1x128xi32>
    %add3A_162 = arith.addi %iota3A, %add3A_161 : vector<1x128xi32>
    %convert_element_type3A_163 = arith.sitofp %add3A_162 : vector<1x128xi32> to vector<1x128xf32>
    %add3A_164 = arith.constant 3712 : i32
    %add3A_165 = vector.broadcast %add3A_164 : i32 to vector<1x128xi32>
    %add3A_166 = arith.addi %iota3A, %add3A_165 : vector<1x128xi32>
    %convert_element_type3A_167 = arith.sitofp %add3A_166 : vector<1x128xi32> to vector<1x128xf32>
    %add3A_168 = arith.constant 3840 : i32
    %add3A_169 = vector.broadcast %add3A_168 : i32 to vector<1x128xi32>
    %add3A_170 = arith.addi %iota3A, %add3A_169 : vector<1x128xi32>
    %convert_element_type3A_171 = arith.sitofp %add3A_170 : vector<1x128xi32> to vector<1x128xf32>
    %add3A_172 = arith.constant 3968 : i32
    %add3A_173 = vector.broadcast %add3A_172 : i32 to vector<1x128xi32>
    %add3A_174 = arith.addi %iota3A, %add3A_173 : vector<1x128xi32>
    %convert_element_type3A_175 = arith.sitofp %add3A_174 : vector<1x128xi32> to vector<1x128xf32>
    %lt3A = arith.cmpf olt, %slice3A_18, %slice3A : vector<1024x128xf32>
    %select_n3A = arith.select %lt3A, %slice3A_18, %slice3A : vector<1024x128xi1>, vector<1024x128xf32>
    %broadcast_in_dim3A = vector.shape_cast %convert_element_type3A_55 : vector<1x128xf32> to vector<1x128xf32>
    %broadcast_in_dim3A_176 = vector.broadcast %broadcast_in_dim3A : vector<1x128xf32> to vector<1024x128xf32>
    %broadcast_in_dim3A_177 = vector.shape_cast %convert_element_type3A : vector<1x128xf32> to vector<1x128xf32>
    %broadcast_in_dim3A_178 = vector.broadcast %broadcast_in_dim3A_177 : vector<1x128xf32> to vector<1024x128xf32>
    %select_n3A_179 = arith.select %lt3A, %broadcast_in_dim3A_176, %broadcast_in_dim3A_178 : vector<1024x128xi1>, vector<1024x128xf32>
    %lt3A_180 = arith.cmpf olt, %slice3A_20, %slice3A_19 : vector<1024x128xf32>
    %select_n3A_181 = arith.select %lt3A_180, %slice3A_20, %slice3A_19 : vector<1024x128xi1>, vector<1024x128xf32>
    %broadcast_in_dim3A_182 = vector.shape_cast %convert_element_type3A_63 : vector<1x128xf32> to vector<1x128xf32>
    %broadcast_in_dim3A_183 = vector.broadcast %broadcast_in_dim3A_182 : vector<1x128xf32> to vector<1024x128xf32>
    %broadcast_in_dim3A_184 = vector.shape_cast %convert_element_type3A_59 : vector<1x128xf32> to vector<1x128xf32>
    %broadcast_in_dim3A_185 = vector.broadcast %broadcast_in_dim3A_184 : vector<1x128xf32> to vector<1024x128xf32>
    %select_n3A_186 = arith.select %lt3A_180, %broadcast_in_dim3A_183, %broadcast_in_dim3A_185 : vector<1024x128xi1>, vector<1024x128xf32>
    %lt3A_187 = arith.cmpf olt, %slice3A_22, %slice3A_21 : vector<1024x128xf32>
    %select_n3A_188 = arith.select %lt3A_187, %slice3A_22, %slice3A_21 : vector<1024x128xi1>, vector<1024x128xf32>
    %broadcast_in_dim3A_189 = vector.shape_cast %convert_element_type3A_71 : vector<1x128xf32> to vector<1x128xf32>
    %broadcast_in_dim3A_190 = vector.broadcast %broadcast_in_dim3A_189 : vector<1x128xf32> to vector<1024x128xf32>
    %broadcast_in_dim3A_191 = vector.shape_cast %convert_element_type3A_67 : vector<1x128xf32> to vector<1x128xf32>
    %broadcast_in_dim3A_192 = vector.broadcast %broadcast_in_dim3A_191 : vector<1x128xf32> to vector<1024x128xf32>
    %select_n3A_193 = arith.select %lt3A_187, %broadcast_in_dim3A_190, %broadcast_in_dim3A_192 : vector<1024x128xi1>, vector<1024x128xf32>
    %lt3A_194 = arith.cmpf olt, %slice3A_24, %slice3A_23 : vector<1024x128xf32>
    %select_n3A_195 = arith.select %lt3A_194, %slice3A_24, %slice3A_23 : vector<1024x128xi1>, vector<1024x128xf32>
    %broadcast_in_dim3A_196 = vector.shape_cast %convert_element_type3A_79 : vector<1x128xf32> to vector<1x128xf32>
    %broadcast_in_dim3A_197 = vector.broadcast %broadcast_in_dim3A_196 : vector<1x128xf32> to vector<1024x128xf32>
    %broadcast_in_dim3A_198 = vector.shape_cast %convert_element_type3A_75 : vector<1x128xf32> to vector<1x128xf32>
    %broadcast_in_dim3A_199 = vector.broadcast %broadcast_in_dim3A_198 : vector<1x128xf32> to vector<1024x128xf32>
    %select_n3A_200 = arith.select %lt3A_194, %broadcast_in_dim3A_197, %broadcast_in_dim3A_199 : vector<1024x128xi1>, vector<1024x128xf32>
    %lt3A_201 = arith.cmpf olt, %slice3A_26, %slice3A_25 : vector<1024x128xf32>
    %select_n3A_202 = arith.select %lt3A_201, %slice3A_26, %slice3A_25 : vector<1024x128xi1>, vector<1024x128xf32>
    %broadcast_in_dim3A_203 = vector.shape_cast %convert_element_type3A_87 : vector<1x128xf32> to vector<1x128xf32>
    %broadcast_in_dim3A_204 = vector.broadcast %broadcast_in_dim3A_203 : vector<1x128xf32> to vector<1024x128xf32>
    %broadcast_in_dim3A_205 = vector.shape_cast %convert_element_type3A_83 : vector<1x128xf32> to vector<1x128xf32>
    %broadcast_in_dim3A_206 = vector.broadcast %broadcast_in_dim3A_205 : vector<1x128xf32> to vector<1024x128xf32>
    %select_n3A_207 = arith.select %lt3A_201, %broadcast_in_dim3A_204, %broadcast_in_dim3A_206 : vector<1024x128xi1>, vector<1024x128xf32>
    %lt3A_208 = arith.cmpf olt, %slice3A_28, %slice3A_27 : vector<1024x128xf32>
    %select_n3A_209 = arith.select %lt3A_208, %slice3A_28, %slice3A_27 : vector<1024x128xi1>, vector<1024x128xf32>
    %broadcast_in_dim3A_210 = vector.shape_cast %convert_element_type3A_95 : vector<1x128xf32> to vector<1x128xf32>
    %broadcast_in_dim3A_211 = vector.broadcast %broadcast_in_dim3A_210 : vector<1x128xf32> to vector<1024x128xf32>
    %broadcast_in_dim3A_212 = vector.shape_cast %convert_element_type3A_91 : vector<1x128xf32> to vector<1x128xf32>
    %broadcast_in_dim3A_213 = vector.broadcast %broadcast_in_dim3A_212 : vector<1x128xf32> to vector<1024x128xf32>
    %select_n3A_214 = arith.select %lt3A_208, %broadcast_in_dim3A_211, %broadcast_in_dim3A_213 : vector<1024x128xi1>, vector<1024x128xf32>
    %lt3A_215 = arith.cmpf olt, %slice3A_30, %slice3A_29 : vector<1024x128xf32>
    %select_n3A_216 = arith.select %lt3A_215, %slice3A_30, %slice3A_29 : vector<1024x128xi1>, vector<1024x128xf32>
    %broadcast_in_dim3A_217 = vector.shape_cast %convert_element_type3A_103 : vector<1x128xf32> to vector<1x128xf32>
    %broadcast_in_dim3A_218 = vector.broadcast %broadcast_in_dim3A_217 : vector<1x128xf32> to vector<1024x128xf32>
    %broadcast_in_dim3A_219 = vector.shape_cast %convert_element_type3A_99 : vector<1x128xf32> to vector<1x128xf32>
    %broadcast_in_dim3A_220 = vector.broadcast %broadcast_in_dim3A_219 : vector<1x128xf32> to vector<1024x128xf32>
    %select_n3A_221 = arith.select %lt3A_215, %broadcast_in_dim3A_218, %broadcast_in_dim3A_220 : vector<1024x128xi1>, vector<1024x128xf32>
    %lt3A_222 = arith.cmpf olt, %slice3A_32, %slice3A_31 : vector<1024x128xf32>
    %select_n3A_223 = arith.select %lt3A_222, %slice3A_32, %slice3A_31 : vector<1024x128xi1>, vector<1024x128xf32>
    %broadcast_in_dim3A_224 = vector.shape_cast %convert_element_type3A_111 : vector<1x128xf32> to vector<1x128xf32>
    %broadcast_in_dim3A_225 = vector.broadcast %broadcast_in_dim3A_224 : vector<1x128xf32> to vector<1024x128xf32>
    %broadcast_in_dim3A_226 = vector.shape_cast %convert_element_type3A_107 : vector<1x128xf32> to vector<1x128xf32>
    %broadcast_in_dim3A_227 = vector.broadcast %broadcast_in_dim3A_226 : vector<1x128xf32> to vector<1024x128xf32>
    %select_n3A_228 = arith.select %lt3A_222, %broadcast_in_dim3A_225, %broadcast_in_dim3A_227 : vector<1024x128xi1>, vector<1024x128xf32>
    %lt3A_229 = arith.cmpf olt, %slice3A_34, %slice3A_33 : vector<1024x128xf32>
    %select_n3A_230 = arith.select %lt3A_229, %slice3A_34, %slice3A_33 : vector<1024x128xi1>, vector<1024x128xf32>
    %broadcast_in_dim3A_231 = vector.shape_cast %convert_element_type3A_119 : vector<1x128xf32> to vector<1x128xf32>
    %broadcast_in_dim3A_232 = vector.broadcast %broadcast_in_dim3A_231 : vector<1x128xf32> to vector<1024x128xf32>
    %broadcast_in_dim3A_233 = vector.shape_cast %convert_element_type3A_115 : vector<1x128xf32> to vector<1x128xf32>
    %broadcast_in_dim3A_234 = vector.broadcast %broadcast_in_dim3A_233 : vector<1x128xf32> to vector<1024x128xf32>
    %select_n3A_235 = arith.select %lt3A_229, %broadcast_in_dim3A_232, %broadcast_in_dim3A_234 : vector<1024x128xi1>, vector<1024x128xf32>
    %lt3A_236 = arith.cmpf olt, %slice3A_36, %slice3A_35 : vector<1024x128xf32>
    %select_n3A_237 = arith.select %lt3A_236, %slice3A_36, %slice3A_35 : vector<1024x128xi1>, vector<1024x128xf32>
    %broadcast_in_dim3A_238 = vector.shape_cast %convert_element_type3A_127 : vector<1x128xf32> to vector<1x128xf32>
    %broadcast_in_dim3A_239 = vector.broadcast %broadcast_in_dim3A_238 : vector<1x128xf32> to vector<1024x128xf32>
    %broadcast_in_dim3A_240 = vector.shape_cast %convert_element_type3A_123 : vector<1x128xf32> to vector<1x128xf32>
    %broadcast_in_dim3A_241 = vector.broadcast %broadcast_in_dim3A_240 : vector<1x128xf32> to vector<1024x128xf32>
    %select_n3A_242 = arith.select %lt3A_236, %broadcast_in_dim3A_239, %broadcast_in_dim3A_241 : vector<1024x128xi1>, vector<1024x128xf32>
    %lt3A_243 = arith.cmpf olt, %slice3A_38, %slice3A_37 : vector<1024x128xf32>
    %select_n3A_244 = arith.select %lt3A_243, %slice3A_38, %slice3A_37 : vector<1024x128xi1>, vector<1024x128xf32>
    %broadcast_in_dim3A_245 = vector.shape_cast %convert_element_type3A_135 : vector<1x128xf32> to vector<1x128xf32>
    %broadcast_in_dim3A_246 = vector.broadcast %broadcast_in_dim3A_245 : vector<1x128xf32> to vector<1024x128xf32>
    %broadcast_in_dim3A_247 = vector.shape_cast %convert_element_type3A_131 : vector<1x128xf32> to vector<1x128xf32>
    %broadcast_in_dim3A_248 = vector.broadcast %broadcast_in_dim3A_247 : vector<1x128xf32> to vector<1024x128xf32>
    %select_n3A_249 = arith.select %lt3A_243, %broadcast_in_dim3A_246, %broadcast_in_dim3A_248 : vector<1024x128xi1>, vector<1024x128xf32>
    %lt3A_250 = arith.cmpf olt, %slice3A_40, %slice3A_39 : vector<1024x128xf32>
    %select_n3A_251 = arith.select %lt3A_250, %slice3A_40, %slice3A_39 : vector<1024x128xi1>, vector<1024x128xf32>
    %broadcast_in_dim3A_252 = vector.shape_cast %convert_element_type3A_143 : vector<1x128xf32> to vector<1x128xf32>
    %broadcast_in_dim3A_253 = vector.broadcast %broadcast_in_dim3A_252 : vector<1x128xf32> to vector<1024x128xf32>
    %broadcast_in_dim3A_254 = vector.shape_cast %convert_element_type3A_139 : vector<1x128xf32> to vector<1x128xf32>
    %broadcast_in_dim3A_255 = vector.broadcast %broadcast_in_dim3A_254 : vector<1x128xf32> to vector<1024x128xf32>
    %select_n3A_256 = arith.select %lt3A_250, %broadcast_in_dim3A_253, %broadcast_in_dim3A_255 : vector<1024x128xi1>, vector<1024x128xf32>
    %lt3A_257 = arith.cmpf olt, %slice3A_42, %slice3A_41 : vector<1024x128xf32>
    %select_n3A_258 = arith.select %lt3A_257, %slice3A_42, %slice3A_41 : vector<1024x128xi1>, vector<1024x128xf32>
    %broadcast_in_dim3A_259 = vector.shape_cast %convert_element_type3A_151 : vector<1x128xf32> to vector<1x128xf32>
    %broadcast_in_dim3A_260 = vector.broadcast %broadcast_in_dim3A_259 : vector<1x128xf32> to vector<1024x128xf32>
    %broadcast_in_dim3A_261 = vector.shape_cast %convert_element_type3A_147 : vector<1x128xf32> to vector<1x128xf32>
    %broadcast_in_dim3A_262 = vector.broadcast %broadcast_in_dim3A_261 : vector<1x128xf32> to vector<1024x128xf32>
    %select_n3A_263 = arith.select %lt3A_257, %broadcast_in_dim3A_260, %broadcast_in_dim3A_262 : vector<1024x128xi1>, vector<1024x128xf32>
    %lt3A_264 = arith.cmpf olt, %slice3A_44, %slice3A_43 : vector<1024x128xf32>
    %select_n3A_265 = arith.select %lt3A_264, %slice3A_44, %slice3A_43 : vector<1024x128xi1>, vector<1024x128xf32>
    %broadcast_in_dim3A_266 = vector.shape_cast %convert_element_type3A_159 : vector<1x128xf32> to vector<1x128xf32>
    %broadcast_in_dim3A_267 = vector.broadcast %broadcast_in_dim3A_266 : vector<1x128xf32> to vector<1024x128xf32>
    %broadcast_in_dim3A_268 = vector.shape_cast %convert_element_type3A_155 : vector<1x128xf32> to vector<1x128xf32>
    %broadcast_in_dim3A_269 = vector.broadcast %broadcast_in_dim3A_268 : vector<1x128xf32> to vector<1024x128xf32>
    %select_n3A_270 = arith.select %lt3A_264, %broadcast_in_dim3A_267, %broadcast_in_dim3A_269 : vector<1024x128xi1>, vector<1024x128xf32>
    %lt3A_271 = arith.cmpf olt, %slice3A_46, %slice3A_45 : vector<1024x128xf32>
    %select_n3A_272 = arith.select %lt3A_271, %slice3A_46, %slice3A_45 : vector<1024x128xi1>, vector<1024x128xf32>
    %broadcast_in_dim3A_273 = vector.shape_cast %convert_element_type3A_167 : vector<1x128xf32> to vector<1x128xf32>
    %broadcast_in_dim3A_274 = vector.broadcast %broadcast_in_dim3A_273 : vector<1x128xf32> to vector<1024x128xf32>
    %broadcast_in_dim3A_275 = vector.shape_cast %convert_element_type3A_163 : vector<1x128xf32> to vector<1x128xf32>
    %broadcast_in_dim3A_276 = vector.broadcast %broadcast_in_dim3A_275 : vector<1x128xf32> to vector<1024x128xf32>
    %select_n3A_277 = arith.select %lt3A_271, %broadcast_in_dim3A_274, %broadcast_in_dim3A_276 : vector<1024x128xi1>, vector<1024x128xf32>
    %lt3A_278 = arith.cmpf olt, %slice3A_48, %slice3A_47 : vector<1024x128xf32>
    %select_n3A_279 = arith.select %lt3A_278, %slice3A_48, %slice3A_47 : vector<1024x128xi1>, vector<1024x128xf32>
    %broadcast_in_dim3A_280 = vector.shape_cast %convert_element_type3A_175 : vector<1x128xf32> to vector<1x128xf32>
    %broadcast_in_dim3A_281 = vector.broadcast %broadcast_in_dim3A_280 : vector<1x128xf32> to vector<1024x128xf32>
    %broadcast_in_dim3A_282 = vector.shape_cast %convert_element_type3A_171 : vector<1x128xf32> to vector<1x128xf32>
    %broadcast_in_dim3A_283 = vector.broadcast %broadcast_in_dim3A_282 : vector<1x128xf32> to vector<1024x128xf32>
    %select_n3A_284 = arith.select %lt3A_278, %broadcast_in_dim3A_281, %broadcast_in_dim3A_283 : vector<1024x128xi1>, vector<1024x128xf32>
    %lt3A_285 = arith.cmpf olt, %select_n3A_181, %select_n3A : vector<1024x128xf32>
    %select_n3A_286 = arith.select %lt3A_285, %select_n3A_181, %select_n3A : vector<1024x128xi1>, vector<1024x128xf32>
    %select_n3A_287 = arith.select %lt3A_285, %select_n3A_186, %select_n3A_179 : vector<1024x128xi1>, vector<1024x128xf32>
    %lt3A_288 = arith.cmpf olt, %select_n3A_195, %select_n3A_188 : vector<1024x128xf32>
    %select_n3A_289 = arith.select %lt3A_288, %select_n3A_195, %select_n3A_188 : vector<1024x128xi1>, vector<1024x128xf32>
    %select_n3A_290 = arith.select %lt3A_288, %select_n3A_200, %select_n3A_193 : vector<1024x128xi1>, vector<1024x128xf32>
    %lt3A_291 = arith.cmpf olt, %select_n3A_209, %select_n3A_202 : vector<1024x128xf32>
    %select_n3A_292 = arith.select %lt3A_291, %select_n3A_209, %select_n3A_202 : vector<1024x128xi1>, vector<1024x128xf32>
    %select_n3A_293 = arith.select %lt3A_291, %select_n3A_214, %select_n3A_207 : vector<1024x128xi1>, vector<1024x128xf32>
    %lt3A_294 = arith.cmpf olt, %select_n3A_223, %select_n3A_216 : vector<1024x128xf32>
    %select_n3A_295 = arith.select %lt3A_294, %select_n3A_223, %select_n3A_216 : vector<1024x128xi1>, vector<1024x128xf32>
    %select_n3A_296 = arith.select %lt3A_294, %select_n3A_228, %select_n3A_221 : vector<1024x128xi1>, vector<1024x128xf32>
    %lt3A_297 = arith.cmpf olt, %select_n3A_237, %select_n3A_230 : vector<1024x128xf32>
    %select_n3A_298 = arith.select %lt3A_297, %select_n3A_237, %select_n3A_230 : vector<1024x128xi1>, vector<1024x128xf32>
    %select_n3A_299 = arith.select %lt3A_297, %select_n3A_242, %select_n3A_235 : vector<1024x128xi1>, vector<1024x128xf32>
    %lt3A_300 = arith.cmpf olt, %select_n3A_251, %select_n3A_244 : vector<1024x128xf32>
    %select_n3A_301 = arith.select %lt3A_300, %select_n3A_251, %select_n3A_244 : vector<1024x128xi1>, vector<1024x128xf32>
    %select_n3A_302 = arith.select %lt3A_300, %select_n3A_256, %select_n3A_249 : vector<1024x128xi1>, vector<1024x128xf32>
    %lt3A_303 = arith.cmpf olt, %select_n3A_265, %select_n3A_258 : vector<1024x128xf32>
    %select_n3A_304 = arith.select %lt3A_303, %select_n3A_265, %select_n3A_258 : vector<1024x128xi1>, vector<1024x128xf32>
    %select_n3A_305 = arith.select %lt3A_303, %select_n3A_270, %select_n3A_263 : vector<1024x128xi1>, vector<1024x128xf32>
    %lt3A_306 = arith.cmpf olt, %select_n3A_279, %select_n3A_272 : vector<1024x128xf32>
    %select_n3A_307 = arith.select %lt3A_306, %select_n3A_279, %select_n3A_272 : vector<1024x128xi1>, vector<1024x128xf32>
    %select_n3A_308 = arith.select %lt3A_306, %select_n3A_284, %select_n3A_277 : vector<1024x128xi1>, vector<1024x128xf32>
    %lt3A_309 = arith.cmpf olt, %select_n3A_289, %select_n3A_286 : vector<1024x128xf32>
    %select_n3A_310 = arith.select %lt3A_309, %select_n3A_289, %select_n3A_286 : vector<1024x128xi1>, vector<1024x128xf32>
    %select_n3A_311 = arith.select %lt3A_309, %select_n3A_290, %select_n3A_287 : vector<1024x128xi1>, vector<1024x128xf32>
    %lt3A_312 = arith.cmpf olt, %select_n3A_295, %select_n3A_292 : vector<1024x128xf32>
    %select_n3A_313 = arith.select %lt3A_312, %select_n3A_295, %select_n3A_292 : vector<1024x128xi1>, vector<1024x128xf32>
    %select_n3A_314 = arith.select %lt3A_312, %select_n3A_296, %select_n3A_293 : vector<1024x128xi1>, vector<1024x128xf32>
    %lt3A_315 = arith.cmpf olt, %select_n3A_301, %select_n3A_298 : vector<1024x128xf32>
    %select_n3A_316 = arith.select %lt3A_315, %select_n3A_301, %select_n3A_298 : vector<1024x128xi1>, vector<1024x128xf32>
    %select_n3A_317 = arith.select %lt3A_315, %select_n3A_302, %select_n3A_299 : vector<1024x128xi1>, vector<1024x128xf32>
    %lt3A_318 = arith.cmpf olt, %select_n3A_307, %select_n3A_304 : vector<1024x128xf32>
    %select_n3A_319 = arith.select %lt3A_318, %select_n3A_307, %select_n3A_304 : vector<1024x128xi1>, vector<1024x128xf32>
    %select_n3A_320 = arith.select %lt3A_318, %select_n3A_308, %select_n3A_305 : vector<1024x128xi1>, vector<1024x128xf32>
    %lt3A_321 = arith.cmpf olt, %select_n3A_313, %select_n3A_310 : vector<1024x128xf32>
    %select_n3A_322 = arith.select %lt3A_321, %select_n3A_313, %select_n3A_310 : vector<1024x128xi1>, vector<1024x128xf32>
    %select_n3A_323 = arith.select %lt3A_321, %select_n3A_314, %select_n3A_311 : vector<1024x128xi1>, vector<1024x128xf32>
    %lt3A_324 = arith.cmpf olt, %select_n3A_319, %select_n3A_316 : vector<1024x128xf32>
    %select_n3A_325 = arith.select %lt3A_324, %select_n3A_319, %select_n3A_316 : vector<1024x128xi1>, vector<1024x128xf32>
    %select_n3A_326 = arith.select %lt3A_324, %select_n3A_320, %select_n3A_317 : vector<1024x128xi1>, vector<1024x128xf32>
    %lt3A_327 = arith.cmpf olt, %select_n3A_325, %select_n3A_322 : vector<1024x128xf32>
    %select_n3A_328 = arith.select %lt3A_327, %select_n3A_325, %select_n3A_322 : vector<1024x128xi1>, vector<1024x128xf32>
    %select_n3A_329 = arith.select %lt3A_327, %select_n3A_326, %select_n3A_323 : vector<1024x128xi1>, vector<1024x128xf32>
    %reduce_min3A = arith.constant dense<0x7F800000> : vector<1024xf32>
    %reduce_min3A_330 = vector.multi_reduction <minimumf>, %select_n3A_328, %reduce_min3A [1] : vector<1024x128xf32> to vector<1024xf32>
    %broadcast_in_dim3A_331 = vector.shape_cast %reduce_min3A_330 : vector<1024xf32> to vector<1024x1xf32>
    %eq3A = vector.broadcast %broadcast_in_dim3A_331 : vector<1024x1xf32> to vector<1024x128xf32>
    %eq3A_332 = arith.cmpf oeq, %select_n3A_328, %eq3A : vector<1024x128xf32>
    %jit3A = arith.constant 1.07374182E+9 : f32
    %broadcast_in_dim3A_333 = vector.broadcast %jit3A : f32 to vector<1024x128xf32>
    %select_n3A_334 = arith.select %eq3A_332, %select_n3A_329, %broadcast_in_dim3A_333 : vector<1024x128xi1>, vector<1024x128xf32>
    %reduce_min3A_335 = arith.constant dense<0x7F800000> : vector<1024xf32>
    %reduce_min3A_336 = vector.multi_reduction <minimumf>, %select_n3A_334, %reduce_min3A_335 [1] : vector<1024x128xf32> to vector<1024xf32>
    %convert_element_type3A_337 = arith.fptosi %reduce_min3A_336 : vector<1024xf32> to vector<1024xi32>
    %convert_element_type3A_338 = arith.truncf %reduce_min3A_330 : vector<1024xf32> to vector<1024xbf16>
    %convert_element_type3A_339 = arith.extf %convert_element_type3A_338 : vector<1024xbf16> to vector<1024xf32>
    %get3A_340 = arith.constant 4096 : index
    %get3A_341 = arith.constant 0 : index
    %get3A_342 = vector.load %arg2[%get3A_340, %get3A_341] : memref<8192x256xf32, #tpu.memory_space<vmem>>, vector<4096x256xf32>
    %dot_general3A_343 = arith.constant dense<0.000000e+00> : vector<1024x4096xf32>
    %dot_general3A_344 = tpu.matmul %add3A, %get3A_342, %dot_general3A_343 {dimension_numbers = #tpu.dot_dimension_numbers<[1], [1], [0], [0], [0, 0, 1, 0], [], []>, transpose_lhs_hint = false} : vector<1024x256xf32>, vector<4096x256xf32>, vector<1024x4096xf32> -> vector<1024x4096xf32>
    %get3A_345 = arith.constant 0 : index
    %get3A_346 = arith.constant 0 : index
    %get3A_347 = vector.load %arg3[%get3A_345, %get3A_346] : memref<1024x1xf32, #tpu.memory_space<vmem>>, vector<1024x1xf32>
    %get3A_348 = arith.constant 0 : index
    %get3A_349 = arith.constant 4096 : index
    %get3A_350 = vector.load %arg4[%get3A_348, %get3A_349] : memref<1x8192xf32, #tpu.memory_space<vmem>>, vector<1x4096xf32>
    %add3A_351 = vector.broadcast %get3A_347 : vector<1024x1xf32> to vector<1024x4096xf32>
    %add3A_352 = vector.broadcast %get3A_350 : vector<1x4096xf32> to vector<1024x4096xf32>
    %add3A_353 = arith.addf %add3A_351, %add3A_352 : vector<1024x4096xf32>
    %sub3A_354 = arith.subf %add3A_353, %dot_general3A_344 : vector<1024x4096xf32>
    %iota3A_355 = tpu.iota {dimensions = array<i32: 1>} : vector<1x128xi32>
    %slice3A_356 = vector.extract_strided_slice %sub3A_354 {offsets = [0, 0], sizes = [1024, 128], strides = [1, 1]} : vector<1024x4096xf32> to vector<1024x128xf32>
    %slice3A_357 = vector.extract_strided_slice %sub3A_354 {offsets = [0, 128], sizes = [1024, 128], strides = [1, 1]} : vector<1024x4096xf32> to vector<1024x128xf32>
    %slice3A_358 = vector.extract_strided_slice %sub3A_354 {offsets = [0, 256], sizes = [1024, 128], strides = [1, 1]} : vector<1024x4096xf32> to vector<1024x128xf32>
    %slice3A_359 = vector.extract_strided_slice %sub3A_354 {offsets = [0, 384], sizes = [1024, 128], strides = [1, 1]} : vector<1024x4096xf32> to vector<1024x128xf32>
    %slice3A_360 = vector.extract_strided_slice %sub3A_354 {offsets = [0, 512], sizes = [1024, 128], strides = [1, 1]} : vector<1024x4096xf32> to vector<1024x128xf32>
    %slice3A_361 = vector.extract_strided_slice %sub3A_354 {offsets = [0, 640], sizes = [1024, 128], strides = [1, 1]} : vector<1024x4096xf32> to vector<1024x128xf32>
    %slice3A_362 = vector.extract_strided_slice %sub3A_354 {offsets = [0, 768], sizes = [1024, 128], strides = [1, 1]} : vector<1024x4096xf32> to vector<1024x128xf32>
    %slice3A_363 = vector.extract_strided_slice %sub3A_354 {offsets = [0, 896], sizes = [1024, 128], strides = [1, 1]} : vector<1024x4096xf32> to vector<1024x128xf32>
    %slice3A_364 = vector.extract_strided_slice %sub3A_354 {offsets = [0, 1024], sizes = [1024, 128], strides = [1, 1]} : vector<1024x4096xf32> to vector<1024x128xf32>
    %slice3A_365 = vector.extract_strided_slice %sub3A_354 {offsets = [0, 1152], sizes = [1024, 128], strides = [1, 1]} : vector<1024x4096xf32> to vector<1024x128xf32>
    %slice3A_366 = vector.extract_strided_slice %sub3A_354 {offsets = [0, 1280], sizes = [1024, 128], strides = [1, 1]} : vector<1024x4096xf32> to vector<1024x128xf32>
    %slice3A_367 = vector.extract_strided_slice %sub3A_354 {offsets = [0, 1408], sizes = [1024, 128], strides = [1, 1]} : vector<1024x4096xf32> to vector<1024x128xf32>
    %slice3A_368 = vector.extract_strided_slice %sub3A_354 {offsets = [0, 1536], sizes = [1024, 128], strides = [1, 1]} : vector<1024x4096xf32> to vector<1024x128xf32>
    %slice3A_369 = vector.extract_strided_slice %sub3A_354 {offsets = [0, 1664], sizes = [1024, 128], strides = [1, 1]} : vector<1024x4096xf32> to vector<1024x128xf32>
    %slice3A_370 = vector.extract_strided_slice %sub3A_354 {offsets = [0, 1792], sizes = [1024, 128], strides = [1, 1]} : vector<1024x4096xf32> to vector<1024x128xf32>
    %slice3A_371 = vector.extract_strided_slice %sub3A_354 {offsets = [0, 1920], sizes = [1024, 128], strides = [1, 1]} : vector<1024x4096xf32> to vector<1024x128xf32>
    %slice3A_372 = vector.extract_strided_slice %sub3A_354 {offsets = [0, 2048], sizes = [1024, 128], strides = [1, 1]} : vector<1024x4096xf32> to vector<1024x128xf32>
    %slice3A_373 = vector.extract_strided_slice %sub3A_354 {offsets = [0, 2176], sizes = [1024, 128], strides = [1, 1]} : vector<1024x4096xf32> to vector<1024x128xf32>
    %slice3A_374 = vector.extract_strided_slice %sub3A_354 {offsets = [0, 2304], sizes = [1024, 128], strides = [1, 1]} : vector<1024x4096xf32> to vector<1024x128xf32>
    %slice3A_375 = vector.extract_strided_slice %sub3A_354 {offsets = [0, 2432], sizes = [1024, 128], strides = [1, 1]} : vector<1024x4096xf32> to vector<1024x128xf32>
    %slice3A_376 = vector.extract_strided_slice %sub3A_354 {offsets = [0, 2560], sizes = [1024, 128], strides = [1, 1]} : vector<1024x4096xf32> to vector<1024x128xf32>
    %slice3A_377 = vector.extract_strided_slice %sub3A_354 {offsets = [0, 2688], sizes = [1024, 128], strides = [1, 1]} : vector<1024x4096xf32> to vector<1024x128xf32>
    %slice3A_378 = vector.extract_strided_slice %sub3A_354 {offsets = [0, 2816], sizes = [1024, 128], strides = [1, 1]} : vector<1024x4096xf32> to vector<1024x128xf32>
    %slice3A_379 = vector.extract_strided_slice %sub3A_354 {offsets = [0, 2944], sizes = [1024, 128], strides = [1, 1]} : vector<1024x4096xf32> to vector<1024x128xf32>
    %slice3A_380 = vector.extract_strided_slice %sub3A_354 {offsets = [0, 3072], sizes = [1024, 128], strides = [1, 1]} : vector<1024x4096xf32> to vector<1024x128xf32>
    %slice3A_381 = vector.extract_strided_slice %sub3A_354 {offsets = [0, 3200], sizes = [1024, 128], strides = [1, 1]} : vector<1024x4096xf32> to vector<1024x128xf32>
    %slice3A_382 = vector.extract_strided_slice %sub3A_354 {offsets = [0, 3328], sizes = [1024, 128], strides = [1, 1]} : vector<1024x4096xf32> to vector<1024x128xf32>
    %slice3A_383 = vector.extract_strided_slice %sub3A_354 {offsets = [0, 3456], sizes = [1024, 128], strides = [1, 1]} : vector<1024x4096xf32> to vector<1024x128xf32>
    %slice3A_384 = vector.extract_strided_slice %sub3A_354 {offsets = [0, 3584], sizes = [1024, 128], strides = [1, 1]} : vector<1024x4096xf32> to vector<1024x128xf32>
    %slice3A_385 = vector.extract_strided_slice %sub3A_354 {offsets = [0, 3712], sizes = [1024, 128], strides = [1, 1]} : vector<1024x4096xf32> to vector<1024x128xf32>
    %slice3A_386 = vector.extract_strided_slice %sub3A_354 {offsets = [0, 3840], sizes = [1024, 128], strides = [1, 1]} : vector<1024x4096xf32> to vector<1024x128xf32>
    %slice3A_387 = vector.extract_strided_slice %sub3A_354 {offsets = [0, 3968], sizes = [1024, 128], strides = [1, 1]} : vector<1024x4096xf32> to vector<1024x128xf32>
    %add3A_388 = arith.constant 4096 : i32
    %add3A_389 = vector.broadcast %add3A_388 : i32 to vector<1x128xi32>
    %add3A_390 = arith.addi %iota3A_355, %add3A_389 : vector<1x128xi32>
    %convert_element_type3A_391 = arith.sitofp %add3A_390 : vector<1x128xi32> to vector<1x128xf32>
    %add3A_392 = arith.constant 4224 : i32
    %add3A_393 = vector.broadcast %add3A_392 : i32 to vector<1x128xi32>
    %add3A_394 = arith.addi %iota3A_355, %add3A_393 : vector<1x128xi32>
    %convert_element_type3A_395 = arith.sitofp %add3A_394 : vector<1x128xi32> to vector<1x128xf32>
    %add3A_396 = arith.constant 4352 : i32
    %add3A_397 = vector.broadcast %add3A_396 : i32 to vector<1x128xi32>
    %add3A_398 = arith.addi %iota3A_355, %add3A_397 : vector<1x128xi32>
    %convert_element_type3A_399 = arith.sitofp %add3A_398 : vector<1x128xi32> to vector<1x128xf32>
    %add3A_400 = arith.constant 4480 : i32
    %add3A_401 = vector.broadcast %add3A_400 : i32 to vector<1x128xi32>
    %add3A_402 = arith.addi %iota3A_355, %add3A_401 : vector<1x128xi32>
    %convert_element_type3A_403 = arith.sitofp %add3A_402 : vector<1x128xi32> to vector<1x128xf32>
    %add3A_404 = arith.constant 4608 : i32
    %add3A_405 = vector.broadcast %add3A_404 : i32 to vector<1x128xi32>
    %add3A_406 = arith.addi %iota3A_355, %add3A_405 : vector<1x128xi32>
    %convert_element_type3A_407 = arith.sitofp %add3A_406 : vector<1x128xi32> to vector<1x128xf32>
    %add3A_408 = arith.constant 4736 : i32
    %add3A_409 = vector.broadcast %add3A_408 : i32 to vector<1x128xi32>
    %add3A_410 = arith.addi %iota3A_355, %add3A_409 : vector<1x128xi32>
    %convert_element_type3A_411 = arith.sitofp %add3A_410 : vector<1x128xi32> to vector<1x128xf32>
    %add3A_412 = arith.constant 4864 : i32
    %add3A_413 = vector.broadcast %add3A_412 : i32 to vector<1x128xi32>
    %add3A_414 = arith.addi %iota3A_355, %add3A_413 : vector<1x128xi32>
    %convert_element_type3A_415 = arith.sitofp %add3A_414 : vector<1x128xi32> to vector<1x128xf32>
    %add3A_416 = arith.constant 4992 : i32
    %add3A_417 = vector.broadcast %add3A_416 : i32 to vector<1x128xi32>
    %add3A_418 = arith.addi %iota3A_355, %add3A_417 : vector<1x128xi32>
    %convert_element_type3A_419 = arith.sitofp %add3A_418 : vector<1x128xi32> to vector<1x128xf32>
    %add3A_420 = arith.constant 5120 : i32
    %add3A_421 = vector.broadcast %add3A_420 : i32 to vector<1x128xi32>
    %add3A_422 = arith.addi %iota3A_355, %add3A_421 : vector<1x128xi32>
    %convert_element_type3A_423 = arith.sitofp %add3A_422 : vector<1x128xi32> to vector<1x128xf32>
    %add3A_424 = arith.constant 5248 : i32
    %add3A_425 = vector.broadcast %add3A_424 : i32 to vector<1x128xi32>
    %add3A_426 = arith.addi %iota3A_355, %add3A_425 : vector<1x128xi32>
    %convert_element_type3A_427 = arith.sitofp %add3A_426 : vector<1x128xi32> to vector<1x128xf32>
    %add3A_428 = arith.constant 5376 : i32
    %add3A_429 = vector.broadcast %add3A_428 : i32 to vector<1x128xi32>
    %add3A_430 = arith.addi %iota3A_355, %add3A_429 : vector<1x128xi32>
    %convert_element_type3A_431 = arith.sitofp %add3A_430 : vector<1x128xi32> to vector<1x128xf32>
    %add3A_432 = arith.constant 5504 : i32
    %add3A_433 = vector.broadcast %add3A_432 : i32 to vector<1x128xi32>
    %add3A_434 = arith.addi %iota3A_355, %add3A_433 : vector<1x128xi32>
    %convert_element_type3A_435 = arith.sitofp %add3A_434 : vector<1x128xi32> to vector<1x128xf32>
    %add3A_436 = arith.constant 5632 : i32
    %add3A_437 = vector.broadcast %add3A_436 : i32 to vector<1x128xi32>
    %add3A_438 = arith.addi %iota3A_355, %add3A_437 : vector<1x128xi32>
    %convert_element_type3A_439 = arith.sitofp %add3A_438 : vector<1x128xi32> to vector<1x128xf32>
    %add3A_440 = arith.constant 5760 : i32
    %add3A_441 = vector.broadcast %add3A_440 : i32 to vector<1x128xi32>
    %add3A_442 = arith.addi %iota3A_355, %add3A_441 : vector<1x128xi32>
    %convert_element_type3A_443 = arith.sitofp %add3A_442 : vector<1x128xi32> to vector<1x128xf32>
    %add3A_444 = arith.constant 5888 : i32
    %add3A_445 = vector.broadcast %add3A_444 : i32 to vector<1x128xi32>
    %add3A_446 = arith.addi %iota3A_355, %add3A_445 : vector<1x128xi32>
    %convert_element_type3A_447 = arith.sitofp %add3A_446 : vector<1x128xi32> to vector<1x128xf32>
    %add3A_448 = arith.constant 6016 : i32
    %add3A_449 = vector.broadcast %add3A_448 : i32 to vector<1x128xi32>
    %add3A_450 = arith.addi %iota3A_355, %add3A_449 : vector<1x128xi32>
    %convert_element_type3A_451 = arith.sitofp %add3A_450 : vector<1x128xi32> to vector<1x128xf32>
    %add3A_452 = arith.constant 6144 : i32
    %add3A_453 = vector.broadcast %add3A_452 : i32 to vector<1x128xi32>
    %add3A_454 = arith.addi %iota3A_355, %add3A_453 : vector<1x128xi32>
    %convert_element_type3A_455 = arith.sitofp %add3A_454 : vector<1x128xi32> to vector<1x128xf32>
    %add3A_456 = arith.constant 6272 : i32
    %add3A_457 = vector.broadcast %add3A_456 : i32 to vector<1x128xi32>
    %add3A_458 = arith.addi %iota3A_355, %add3A_457 : vector<1x128xi32>
    %convert_element_type3A_459 = arith.sitofp %add3A_458 : vector<1x128xi32> to vector<1x128xf32>
    %add3A_460 = arith.constant 6400 : i32
    %add3A_461 = vector.broadcast %add3A_460 : i32 to vector<1x128xi32>
    %add3A_462 = arith.addi %iota3A_355, %add3A_461 : vector<1x128xi32>
    %convert_element_type3A_463 = arith.sitofp %add3A_462 : vector<1x128xi32> to vector<1x128xf32>
    %add3A_464 = arith.constant 6528 : i32
    %add3A_465 = vector.broadcast %add3A_464 : i32 to vector<1x128xi32>
    %add3A_466 = arith.addi %iota3A_355, %add3A_465 : vector<1x128xi32>
    %convert_element_type3A_467 = arith.sitofp %add3A_466 : vector<1x128xi32> to vector<1x128xf32>
    %add3A_468 = arith.constant 6656 : i32
    %add3A_469 = vector.broadcast %add3A_468 : i32 to vector<1x128xi32>
    %add3A_470 = arith.addi %iota3A_355, %add3A_469 : vector<1x128xi32>
    %convert_element_type3A_471 = arith.sitofp %add3A_470 : vector<1x128xi32> to vector<1x128xf32>
    %add3A_472 = arith.constant 6784 : i32
    %add3A_473 = vector.broadcast %add3A_472 : i32 to vector<1x128xi32>
    %add3A_474 = arith.addi %iota3A_355, %add3A_473 : vector<1x128xi32>
    %convert_element_type3A_475 = arith.sitofp %add3A_474 : vector<1x128xi32> to vector<1x128xf32>
    %add3A_476 = arith.constant 6912 : i32
    %add3A_477 = vector.broadcast %add3A_476 : i32 to vector<1x128xi32>
    %add3A_478 = arith.addi %iota3A_355, %add3A_477 : vector<1x128xi32>
    %convert_element_type3A_479 = arith.sitofp %add3A_478 : vector<1x128xi32> to vector<1x128xf32>
    %add3A_480 = arith.constant 7040 : i32
    %add3A_481 = vector.broadcast %add3A_480 : i32 to vector<1x128xi32>
    %add3A_482 = arith.addi %iota3A_355, %add3A_481 : vector<1x128xi32>
    %convert_element_type3A_483 = arith.sitofp %add3A_482 : vector<1x128xi32> to vector<1x128xf32>
    %add3A_484 = arith.constant 7168 : i32
    %add3A_485 = vector.broadcast %add3A_484 : i32 to vector<1x128xi32>
    %add3A_486 = arith.addi %iota3A_355, %add3A_485 : vector<1x128xi32>
    %convert_element_type3A_487 = arith.sitofp %add3A_486 : vector<1x128xi32> to vector<1x128xf32>
    %add3A_488 = arith.constant 7296 : i32
    %add3A_489 = vector.broadcast %add3A_488 : i32 to vector<1x128xi32>
    %add3A_490 = arith.addi %iota3A_355, %add3A_489 : vector<1x128xi32>
    %convert_element_type3A_491 = arith.sitofp %add3A_490 : vector<1x128xi32> to vector<1x128xf32>
    %add3A_492 = arith.constant 7424 : i32
    %add3A_493 = vector.broadcast %add3A_492 : i32 to vector<1x128xi32>
    %add3A_494 = arith.addi %iota3A_355, %add3A_493 : vector<1x128xi32>
    %convert_element_type3A_495 = arith.sitofp %add3A_494 : vector<1x128xi32> to vector<1x128xf32>
    %add3A_496 = arith.constant 7552 : i32
    %add3A_497 = vector.broadcast %add3A_496 : i32 to vector<1x128xi32>
    %add3A_498 = arith.addi %iota3A_355, %add3A_497 : vector<1x128xi32>
    %convert_element_type3A_499 = arith.sitofp %add3A_498 : vector<1x128xi32> to vector<1x128xf32>
    %add3A_500 = arith.constant 7680 : i32
    %add3A_501 = vector.broadcast %add3A_500 : i32 to vector<1x128xi32>
    %add3A_502 = arith.addi %iota3A_355, %add3A_501 : vector<1x128xi32>
    %convert_element_type3A_503 = arith.sitofp %add3A_502 : vector<1x128xi32> to vector<1x128xf32>
    %add3A_504 = arith.constant 7808 : i32
    %add3A_505 = vector.broadcast %add3A_504 : i32 to vector<1x128xi32>
    %add3A_506 = arith.addi %iota3A_355, %add3A_505 : vector<1x128xi32>
    %convert_element_type3A_507 = arith.sitofp %add3A_506 : vector<1x128xi32> to vector<1x128xf32>
    %add3A_508 = arith.constant 7936 : i32
    %add3A_509 = vector.broadcast %add3A_508 : i32 to vector<1x128xi32>
    %add3A_510 = arith.addi %iota3A_355, %add3A_509 : vector<1x128xi32>
    %convert_element_type3A_511 = arith.sitofp %add3A_510 : vector<1x128xi32> to vector<1x128xf32>
    %add3A_512 = arith.constant 8064 : i32
    %add3A_513 = vector.broadcast %add3A_512 : i32 to vector<1x128xi32>
    %add3A_514 = arith.addi %iota3A_355, %add3A_513 : vector<1x128xi32>
    %convert_element_type3A_515 = arith.sitofp %add3A_514 : vector<1x128xi32> to vector<1x128xf32>
    %lt3A_516 = arith.cmpf olt, %slice3A_357, %slice3A_356 : vector<1024x128xf32>
    %select_n3A_517 = arith.select %lt3A_516, %slice3A_357, %slice3A_356 : vector<1024x128xi1>, vector<1024x128xf32>
    %broadcast_in_dim3A_518 = vector.shape_cast %convert_element_type3A_395 : vector<1x128xf32> to vector<1x128xf32>
    %broadcast_in_dim3A_519 = vector.broadcast %broadcast_in_dim3A_518 : vector<1x128xf32> to vector<1024x128xf32>
    %broadcast_in_dim3A_520 = vector.shape_cast %convert_element_type3A_391 : vector<1x128xf32> to vector<1x128xf32>
    %broadcast_in_dim3A_521 = vector.broadcast %broadcast_in_dim3A_520 : vector<1x128xf32> to vector<1024x128xf32>
    %select_n3A_522 = arith.select %lt3A_516, %broadcast_in_dim3A_519, %broadcast_in_dim3A_521 : vector<1024x128xi1>, vector<1024x128xf32>
    %lt3A_523 = arith.cmpf olt, %slice3A_359, %slice3A_358 : vector<1024x128xf32>
    %select_n3A_524 = arith.select %lt3A_523, %slice3A_359, %slice3A_358 : vector<1024x128xi1>, vector<1024x128xf32>
    %broadcast_in_dim3A_525 = vector.shape_cast %convert_element_type3A_403 : vector<1x128xf32> to vector<1x128xf32>
    %broadcast_in_dim3A_526 = vector.broadcast %broadcast_in_dim3A_525 : vector<1x128xf32> to vector<1024x128xf32>
    %broadcast_in_dim3A_527 = vector.shape_cast %convert_element_type3A_399 : vector<1x128xf32> to vector<1x128xf32>
    %broadcast_in_dim3A_528 = vector.broadcast %broadcast_in_dim3A_527 : vector<1x128xf32> to vector<1024x128xf32>
    %select_n3A_529 = arith.select %lt3A_523, %broadcast_in_dim3A_526, %broadcast_in_dim3A_528 : vector<1024x128xi1>, vector<1024x128xf32>
    %lt3A_530 = arith.cmpf olt, %slice3A_361, %slice3A_360 : vector<1024x128xf32>
    %select_n3A_531 = arith.select %lt3A_530, %slice3A_361, %slice3A_360 : vector<1024x128xi1>, vector<1024x128xf32>
    %broadcast_in_dim3A_532 = vector.shape_cast %convert_element_type3A_411 : vector<1x128xf32> to vector<1x128xf32>
    %broadcast_in_dim3A_533 = vector.broadcast %broadcast_in_dim3A_532 : vector<1x128xf32> to vector<1024x128xf32>
    %broadcast_in_dim3A_534 = vector.shape_cast %convert_element_type3A_407 : vector<1x128xf32> to vector<1x128xf32>
    %broadcast_in_dim3A_535 = vector.broadcast %broadcast_in_dim3A_534 : vector<1x128xf32> to vector<1024x128xf32>
    %select_n3A_536 = arith.select %lt3A_530, %broadcast_in_dim3A_533, %broadcast_in_dim3A_535 : vector<1024x128xi1>, vector<1024x128xf32>
    %lt3A_537 = arith.cmpf olt, %slice3A_363, %slice3A_362 : vector<1024x128xf32>
    %select_n3A_538 = arith.select %lt3A_537, %slice3A_363, %slice3A_362 : vector<1024x128xi1>, vector<1024x128xf32>
    %broadcast_in_dim3A_539 = vector.shape_cast %convert_element_type3A_419 : vector<1x128xf32> to vector<1x128xf32>
    %broadcast_in_dim3A_540 = vector.broadcast %broadcast_in_dim3A_539 : vector<1x128xf32> to vector<1024x128xf32>
    %broadcast_in_dim3A_541 = vector.shape_cast %convert_element_type3A_415 : vector<1x128xf32> to vector<1x128xf32>
    %broadcast_in_dim3A_542 = vector.broadcast %broadcast_in_dim3A_541 : vector<1x128xf32> to vector<1024x128xf32>
    %select_n3A_543 = arith.select %lt3A_537, %broadcast_in_dim3A_540, %broadcast_in_dim3A_542 : vector<1024x128xi1>, vector<1024x128xf32>
    %lt3A_544 = arith.cmpf olt, %slice3A_365, %slice3A_364 : vector<1024x128xf32>
    %select_n3A_545 = arith.select %lt3A_544, %slice3A_365, %slice3A_364 : vector<1024x128xi1>, vector<1024x128xf32>
    %broadcast_in_dim3A_546 = vector.shape_cast %convert_element_type3A_427 : vector<1x128xf32> to vector<1x128xf32>
    %broadcast_in_dim3A_547 = vector.broadcast %broadcast_in_dim3A_546 : vector<1x128xf32> to vector<1024x128xf32>
    %broadcast_in_dim3A_548 = vector.shape_cast %convert_element_type3A_423 : vector<1x128xf32> to vector<1x128xf32>
    %broadcast_in_dim3A_549 = vector.broadcast %broadcast_in_dim3A_548 : vector<1x128xf32> to vector<1024x128xf32>
    %select_n3A_550 = arith.select %lt3A_544, %broadcast_in_dim3A_547, %broadcast_in_dim3A_549 : vector<1024x128xi1>, vector<1024x128xf32>
    %lt3A_551 = arith.cmpf olt, %slice3A_367, %slice3A_366 : vector<1024x128xf32>
    %select_n3A_552 = arith.select %lt3A_551, %slice3A_367, %slice3A_366 : vector<1024x128xi1>, vector<1024x128xf32>
    %broadcast_in_dim3A_553 = vector.shape_cast %convert_element_type3A_435 : vector<1x128xf32> to vector<1x128xf32>
    %broadcast_in_dim3A_554 = vector.broadcast %broadcast_in_dim3A_553 : vector<1x128xf32> to vector<1024x128xf32>
    %broadcast_in_dim3A_555 = vector.shape_cast %convert_element_type3A_431 : vector<1x128xf32> to vector<1x128xf32>
    %broadcast_in_dim3A_556 = vector.broadcast %broadcast_in_dim3A_555 : vector<1x128xf32> to vector<1024x128xf32>
    %select_n3A_557 = arith.select %lt3A_551, %broadcast_in_dim3A_554, %broadcast_in_dim3A_556 : vector<1024x128xi1>, vector<1024x128xf32>
    %lt3A_558 = arith.cmpf olt, %slice3A_369, %slice3A_368 : vector<1024x128xf32>
    %select_n3A_559 = arith.select %lt3A_558, %slice3A_369, %slice3A_368 : vector<1024x128xi1>, vector<1024x128xf32>
    %broadcast_in_dim3A_560 = vector.shape_cast %convert_element_type3A_443 : vector<1x128xf32> to vector<1x128xf32>
    %broadcast_in_dim3A_561 = vector.broadcast %broadcast_in_dim3A_560 : vector<1x128xf32> to vector<1024x128xf32>
    %broadcast_in_dim3A_562 = vector.shape_cast %convert_element_type3A_439 : vector<1x128xf32> to vector<1x128xf32>
    %broadcast_in_dim3A_563 = vector.broadcast %broadcast_in_dim3A_562 : vector<1x128xf32> to vector<1024x128xf32>
    %select_n3A_564 = arith.select %lt3A_558, %broadcast_in_dim3A_561, %broadcast_in_dim3A_563 : vector<1024x128xi1>, vector<1024x128xf32>
    %lt3A_565 = arith.cmpf olt, %slice3A_371, %slice3A_370 : vector<1024x128xf32>
    %select_n3A_566 = arith.select %lt3A_565, %slice3A_371, %slice3A_370 : vector<1024x128xi1>, vector<1024x128xf32>
    %broadcast_in_dim3A_567 = vector.shape_cast %convert_element_type3A_451 : vector<1x128xf32> to vector<1x128xf32>
    %broadcast_in_dim3A_568 = vector.broadcast %broadcast_in_dim3A_567 : vector<1x128xf32> to vector<1024x128xf32>
    %broadcast_in_dim3A_569 = vector.shape_cast %convert_element_type3A_447 : vector<1x128xf32> to vector<1x128xf32>
    %broadcast_in_dim3A_570 = vector.broadcast %broadcast_in_dim3A_569 : vector<1x128xf32> to vector<1024x128xf32>
    %select_n3A_571 = arith.select %lt3A_565, %broadcast_in_dim3A_568, %broadcast_in_dim3A_570 : vector<1024x128xi1>, vector<1024x128xf32>
    %lt3A_572 = arith.cmpf olt, %slice3A_373, %slice3A_372 : vector<1024x128xf32>
    %select_n3A_573 = arith.select %lt3A_572, %slice3A_373, %slice3A_372 : vector<1024x128xi1>, vector<1024x128xf32>
    %broadcast_in_dim3A_574 = vector.shape_cast %convert_element_type3A_459 : vector<1x128xf32> to vector<1x128xf32>
    %broadcast_in_dim3A_575 = vector.broadcast %broadcast_in_dim3A_574 : vector<1x128xf32> to vector<1024x128xf32>
    %broadcast_in_dim3A_576 = vector.shape_cast %convert_element_type3A_455 : vector<1x128xf32> to vector<1x128xf32>
    %broadcast_in_dim3A_577 = vector.broadcast %broadcast_in_dim3A_576 : vector<1x128xf32> to vector<1024x128xf32>
    %select_n3A_578 = arith.select %lt3A_572, %broadcast_in_dim3A_575, %broadcast_in_dim3A_577 : vector<1024x128xi1>, vector<1024x128xf32>
    %lt3A_579 = arith.cmpf olt, %slice3A_375, %slice3A_374 : vector<1024x128xf32>
    %select_n3A_580 = arith.select %lt3A_579, %slice3A_375, %slice3A_374 : vector<1024x128xi1>, vector<1024x128xf32>
    %broadcast_in_dim3A_581 = vector.shape_cast %convert_element_type3A_467 : vector<1x128xf32> to vector<1x128xf32>
    %broadcast_in_dim3A_582 = vector.broadcast %broadcast_in_dim3A_581 : vector<1x128xf32> to vector<1024x128xf32>
    %broadcast_in_dim3A_583 = vector.shape_cast %convert_element_type3A_463 : vector<1x128xf32> to vector<1x128xf32>
    %broadcast_in_dim3A_584 = vector.broadcast %broadcast_in_dim3A_583 : vector<1x128xf32> to vector<1024x128xf32>
    %select_n3A_585 = arith.select %lt3A_579, %broadcast_in_dim3A_582, %broadcast_in_dim3A_584 : vector<1024x128xi1>, vector<1024x128xf32>
    %lt3A_586 = arith.cmpf olt, %slice3A_377, %slice3A_376 : vector<1024x128xf32>
    %select_n3A_587 = arith.select %lt3A_586, %slice3A_377, %slice3A_376 : vector<1024x128xi1>, vector<1024x128xf32>
    %broadcast_in_dim3A_588 = vector.shape_cast %convert_element_type3A_475 : vector<1x128xf32> to vector<1x128xf32>
    %broadcast_in_dim3A_589 = vector.broadcast %broadcast_in_dim3A_588 : vector<1x128xf32> to vector<1024x128xf32>
    %broadcast_in_dim3A_590 = vector.shape_cast %convert_element_type3A_471 : vector<1x128xf32> to vector<1x128xf32>
    %broadcast_in_dim3A_591 = vector.broadcast %broadcast_in_dim3A_590 : vector<1x128xf32> to vector<1024x128xf32>
    %select_n3A_592 = arith.select %lt3A_586, %broadcast_in_dim3A_589, %broadcast_in_dim3A_591 : vector<1024x128xi1>, vector<1024x128xf32>
    %lt3A_593 = arith.cmpf olt, %slice3A_379, %slice3A_378 : vector<1024x128xf32>
    %select_n3A_594 = arith.select %lt3A_593, %slice3A_379, %slice3A_378 : vector<1024x128xi1>, vector<1024x128xf32>
    %broadcast_in_dim3A_595 = vector.shape_cast %convert_element_type3A_483 : vector<1x128xf32> to vector<1x128xf32>
    %broadcast_in_dim3A_596 = vector.broadcast %broadcast_in_dim3A_595 : vector<1x128xf32> to vector<1024x128xf32>
    %broadcast_in_dim3A_597 = vector.shape_cast %convert_element_type3A_479 : vector<1x128xf32> to vector<1x128xf32>
    %broadcast_in_dim3A_598 = vector.broadcast %broadcast_in_dim3A_597 : vector<1x128xf32> to vector<1024x128xf32>
    %select_n3A_599 = arith.select %lt3A_593, %broadcast_in_dim3A_596, %broadcast_in_dim3A_598 : vector<1024x128xi1>, vector<1024x128xf32>
    %lt3A_600 = arith.cmpf olt, %slice3A_381, %slice3A_380 : vector<1024x128xf32>
    %select_n3A_601 = arith.select %lt3A_600, %slice3A_381, %slice3A_380 : vector<1024x128xi1>, vector<1024x128xf32>
    %broadcast_in_dim3A_602 = vector.shape_cast %convert_element_type3A_491 : vector<1x128xf32> to vector<1x128xf32>
    %broadcast_in_dim3A_603 = vector.broadcast %broadcast_in_dim3A_602 : vector<1x128xf32> to vector<1024x128xf32>
    %broadcast_in_dim3A_604 = vector.shape_cast %convert_element_type3A_487 : vector<1x128xf32> to vector<1x128xf32>
    %broadcast_in_dim3A_605 = vector.broadcast %broadcast_in_dim3A_604 : vector<1x128xf32> to vector<1024x128xf32>
    %select_n3A_606 = arith.select %lt3A_600, %broadcast_in_dim3A_603, %broadcast_in_dim3A_605 : vector<1024x128xi1>, vector<1024x128xf32>
    %lt3A_607 = arith.cmpf olt, %slice3A_383, %slice3A_382 : vector<1024x128xf32>
    %select_n3A_608 = arith.select %lt3A_607, %slice3A_383, %slice3A_382 : vector<1024x128xi1>, vector<1024x128xf32>
    %broadcast_in_dim3A_609 = vector.shape_cast %convert_element_type3A_499 : vector<1x128xf32> to vector<1x128xf32>
    %broadcast_in_dim3A_610 = vector.broadcast %broadcast_in_dim3A_609 : vector<1x128xf32> to vector<1024x128xf32>
    %broadcast_in_dim3A_611 = vector.shape_cast %convert_element_type3A_495 : vector<1x128xf32> to vector<1x128xf32>
    %broadcast_in_dim3A_612 = vector.broadcast %broadcast_in_dim3A_611 : vector<1x128xf32> to vector<1024x128xf32>
    %select_n3A_613 = arith.select %lt3A_607, %broadcast_in_dim3A_610, %broadcast_in_dim3A_612 : vector<1024x128xi1>, vector<1024x128xf32>
    %lt3A_614 = arith.cmpf olt, %slice3A_385, %slice3A_384 : vector<1024x128xf32>
    %select_n3A_615 = arith.select %lt3A_614, %slice3A_385, %slice3A_384 : vector<1024x128xi1>, vector<1024x128xf32>
    %broadcast_in_dim3A_616 = vector.shape_cast %convert_element_type3A_507 : vector<1x128xf32> to vector<1x128xf32>
    %broadcast_in_dim3A_617 = vector.broadcast %broadcast_in_dim3A_616 : vector<1x128xf32> to vector<1024x128xf32>
    %broadcast_in_dim3A_618 = vector.shape_cast %convert_element_type3A_503 : vector<1x128xf32> to vector<1x128xf32>
    %broadcast_in_dim3A_619 = vector.broadcast %broadcast_in_dim3A_618 : vector<1x128xf32> to vector<1024x128xf32>
    %select_n3A_620 = arith.select %lt3A_614, %broadcast_in_dim3A_617, %broadcast_in_dim3A_619 : vector<1024x128xi1>, vector<1024x128xf32>
    %lt3A_621 = arith.cmpf olt, %slice3A_387, %slice3A_386 : vector<1024x128xf32>
    %select_n3A_622 = arith.select %lt3A_621, %slice3A_387, %slice3A_386 : vector<1024x128xi1>, vector<1024x128xf32>
    %broadcast_in_dim3A_623 = vector.shape_cast %convert_element_type3A_515 : vector<1x128xf32> to vector<1x128xf32>
    %broadcast_in_dim3A_624 = vector.broadcast %broadcast_in_dim3A_623 : vector<1x128xf32> to vector<1024x128xf32>
    %broadcast_in_dim3A_625 = vector.shape_cast %convert_element_type3A_511 : vector<1x128xf32> to vector<1x128xf32>
    %broadcast_in_dim3A_626 = vector.broadcast %broadcast_in_dim3A_625 : vector<1x128xf32> to vector<1024x128xf32>
    %select_n3A_627 = arith.select %lt3A_621, %broadcast_in_dim3A_624, %broadcast_in_dim3A_626 : vector<1024x128xi1>, vector<1024x128xf32>
    %lt3A_628 = arith.cmpf olt, %select_n3A_524, %select_n3A_517 : vector<1024x128xf32>
    %select_n3A_629 = arith.select %lt3A_628, %select_n3A_524, %select_n3A_517 : vector<1024x128xi1>, vector<1024x128xf32>
    %select_n3A_630 = arith.select %lt3A_628, %select_n3A_529, %select_n3A_522 : vector<1024x128xi1>, vector<1024x128xf32>
    %lt3A_631 = arith.cmpf olt, %select_n3A_538, %select_n3A_531 : vector<1024x128xf32>
    %select_n3A_632 = arith.select %lt3A_631, %select_n3A_538, %select_n3A_531 : vector<1024x128xi1>, vector<1024x128xf32>
    %select_n3A_633 = arith.select %lt3A_631, %select_n3A_543, %select_n3A_536 : vector<1024x128xi1>, vector<1024x128xf32>
    %lt3A_634 = arith.cmpf olt, %select_n3A_552, %select_n3A_545 : vector<1024x128xf32>
    %select_n3A_635 = arith.select %lt3A_634, %select_n3A_552, %select_n3A_545 : vector<1024x128xi1>, vector<1024x128xf32>
    %select_n3A_636 = arith.select %lt3A_634, %select_n3A_557, %select_n3A_550 : vector<1024x128xi1>, vector<1024x128xf32>
    %lt3A_637 = arith.cmpf olt, %select_n3A_566, %select_n3A_559 : vector<1024x128xf32>
    %select_n3A_638 = arith.select %lt3A_637, %select_n3A_566, %select_n3A_559 : vector<1024x128xi1>, vector<1024x128xf32>
    %select_n3A_639 = arith.select %lt3A_637, %select_n3A_571, %select_n3A_564 : vector<1024x128xi1>, vector<1024x128xf32>
    %lt3A_640 = arith.cmpf olt, %select_n3A_580, %select_n3A_573 : vector<1024x128xf32>
    %select_n3A_641 = arith.select %lt3A_640, %select_n3A_580, %select_n3A_573 : vector<1024x128xi1>, vector<1024x128xf32>
    %select_n3A_642 = arith.select %lt3A_640, %select_n3A_585, %select_n3A_578 : vector<1024x128xi1>, vector<1024x128xf32>
    %lt3A_643 = arith.cmpf olt, %select_n3A_594, %select_n3A_587 : vector<1024x128xf32>
    %select_n3A_644 = arith.select %lt3A_643, %select_n3A_594, %select_n3A_587 : vector<1024x128xi1>, vector<1024x128xf32>
    %select_n3A_645 = arith.select %lt3A_643, %select_n3A_599, %select_n3A_592 : vector<1024x128xi1>, vector<1024x128xf32>
    %lt3A_646 = arith.cmpf olt, %select_n3A_608, %select_n3A_601 : vector<1024x128xf32>
    %select_n3A_647 = arith.select %lt3A_646, %select_n3A_608, %select_n3A_601 : vector<1024x128xi1>, vector<1024x128xf32>
    %select_n3A_648 = arith.select %lt3A_646, %select_n3A_613, %select_n3A_606 : vector<1024x128xi1>, vector<1024x128xf32>
    %lt3A_649 = arith.cmpf olt, %select_n3A_622, %select_n3A_615 : vector<1024x128xf32>
    %select_n3A_650 = arith.select %lt3A_649, %select_n3A_622, %select_n3A_615 : vector<1024x128xi1>, vector<1024x128xf32>
    %select_n3A_651 = arith.select %lt3A_649, %select_n3A_627, %select_n3A_620 : vector<1024x128xi1>, vector<1024x128xf32>
    %lt3A_652 = arith.cmpf olt, %select_n3A_632, %select_n3A_629 : vector<1024x128xf32>
    %select_n3A_653 = arith.select %lt3A_652, %select_n3A_632, %select_n3A_629 : vector<1024x128xi1>, vector<1024x128xf32>
    %select_n3A_654 = arith.select %lt3A_652, %select_n3A_633, %select_n3A_630 : vector<1024x128xi1>, vector<1024x128xf32>
    %lt3A_655 = arith.cmpf olt, %select_n3A_638, %select_n3A_635 : vector<1024x128xf32>
    %select_n3A_656 = arith.select %lt3A_655, %select_n3A_638, %select_n3A_635 : vector<1024x128xi1>, vector<1024x128xf32>
    %select_n3A_657 = arith.select %lt3A_655, %select_n3A_639, %select_n3A_636 : vector<1024x128xi1>, vector<1024x128xf32>
    %lt3A_658 = arith.cmpf olt, %select_n3A_644, %select_n3A_641 : vector<1024x128xf32>
    %select_n3A_659 = arith.select %lt3A_658, %select_n3A_644, %select_n3A_641 : vector<1024x128xi1>, vector<1024x128xf32>
    %select_n3A_660 = arith.select %lt3A_658, %select_n3A_645, %select_n3A_642 : vector<1024x128xi1>, vector<1024x128xf32>
    %lt3A_661 = arith.cmpf olt, %select_n3A_650, %select_n3A_647 : vector<1024x128xf32>
    %select_n3A_662 = arith.select %lt3A_661, %select_n3A_650, %select_n3A_647 : vector<1024x128xi1>, vector<1024x128xf32>
    %select_n3A_663 = arith.select %lt3A_661, %select_n3A_651, %select_n3A_648 : vector<1024x128xi1>, vector<1024x128xf32>
    %lt3A_664 = arith.cmpf olt, %select_n3A_656, %select_n3A_653 : vector<1024x128xf32>
    %select_n3A_665 = arith.select %lt3A_664, %select_n3A_656, %select_n3A_653 : vector<1024x128xi1>, vector<1024x128xf32>
    %select_n3A_666 = arith.select %lt3A_664, %select_n3A_657, %select_n3A_654 : vector<1024x128xi1>, vector<1024x128xf32>
    %lt3A_667 = arith.cmpf olt, %select_n3A_662, %select_n3A_659 : vector<1024x128xf32>
    %select_n3A_668 = arith.select %lt3A_667, %select_n3A_662, %select_n3A_659 : vector<1024x128xi1>, vector<1024x128xf32>
    %select_n3A_669 = arith.select %lt3A_667, %select_n3A_663, %select_n3A_660 : vector<1024x128xi1>, vector<1024x128xf32>
    %lt3A_670 = arith.cmpf olt, %select_n3A_668, %select_n3A_665 : vector<1024x128xf32>
    %select_n3A_671 = arith.select %lt3A_670, %select_n3A_668, %select_n3A_665 : vector<1024x128xi1>, vector<1024x128xf32>
    %select_n3A_672 = arith.select %lt3A_670, %select_n3A_669, %select_n3A_666 : vector<1024x128xi1>, vector<1024x128xf32>
    %reduce_min3A_673 = arith.constant dense<0x7F800000> : vector<1024xf32>
    %reduce_min3A_674 = vector.multi_reduction <minimumf>, %select_n3A_671, %reduce_min3A_673 [1] : vector<1024x128xf32> to vector<1024xf32>
    %broadcast_in_dim3A_675 = vector.shape_cast %reduce_min3A_674 : vector<1024xf32> to vector<1024x1xf32>
    %eq3A_676 = vector.broadcast %broadcast_in_dim3A_675 : vector<1024x1xf32> to vector<1024x128xf32>
    %eq3A_677 = arith.cmpf oeq, %select_n3A_671, %eq3A_676 : vector<1024x128xf32>
    %jit3A_678 = arith.constant 1.07374182E+9 : f32
    %broadcast_in_dim3A_679 = vector.broadcast %jit3A_678 : f32 to vector<1024x128xf32>
    %select_n3A_680 = arith.select %eq3A_677, %select_n3A_672, %broadcast_in_dim3A_679 : vector<1024x128xi1>, vector<1024x128xf32>
    %reduce_min3A_681 = arith.constant dense<0x7F800000> : vector<1024xf32>
    %reduce_min3A_682 = vector.multi_reduction <minimumf>, %select_n3A_680, %reduce_min3A_681 [1] : vector<1024x128xf32> to vector<1024xf32>
    %convert_element_type3A_683 = arith.fptosi %reduce_min3A_682 : vector<1024xf32> to vector<1024xi32>
    %lt3A_684 = arith.cmpf olt, %reduce_min3A_674, %convert_element_type3A_339 : vector<1024xf32>
    %eq3A_685 = arith.cmpf oeq, %reduce_min3A_674, %convert_element_type3A_339 : vector<1024xf32>
    %lt3A_686 = arith.cmpi slt, %convert_element_type3A_683, %convert_element_type3A_337 : vector<1024xi32>
    %and3A = arith.andi %eq3A_685, %lt3A_686 : vector<1024xi1>
    %or3A = arith.ori %lt3A_684, %and3A : vector<1024xi1>
    %select_n3A_687 = arith.select %or3A, %convert_element_type3A_683, %convert_element_type3A_337 : vector<1024xi1>, vector<1024xi32>
    %swap3A = arith.constant 0 : index
    %swap3A_688 = arith.constant 0 : index
    %swap3A_689 = arith.constant 0 : index
    %swap3A_690 = vector.load %arg5[%swap3A, %swap3A_688, %swap3A_689] : memref<1x1x1024xi32, #tpu.memory_space<vmem>>, vector<1x1x1024xi32>
    %swap3A_691 = vector.shape_cast %swap3A_690 : vector<1x1x1024xi32> to vector<1024xi32>
    %swap3A_692 = vector.shape_cast %select_n3A_687 : vector<1024xi32> to vector<1x1x1024xi32>
    tpu.vector_store %arg5[%swap3A, %swap3A_688, %swap3A_689], %swap3A_692 {strides = array<i32>} : memref<1x1x1024xi32, #tpu.memory_space<vmem>>, vector<1x1x1024xi32>,
    %select_n3A_693 = arith.select %or3A, %reduce_min3A_674, %reduce_min3A_330 : vector<1024xi1>, vector<1024xf32>
    %swap3A_694 = arith.constant 0 : index
    %swap3A_695 = arith.constant 0 : index
    %swap3A_696 = arith.constant 0 : index
    %swap3A_697 = vector.load %arg6[%swap3A_694, %swap3A_695, %swap3A_696] : memref<1x1x1024xf32, #tpu.memory_space<vmem>>, vector<1x1x1024xf32>
    %swap3A_698 = vector.shape_cast %swap3A_697 : vector<1x1x1024xf32> to vector<1024xf32>
    %swap3A_699 = vector.shape_cast %select_n3A_693 : vector<1024xf32> to vector<1x1x1024xf32>
    tpu.vector_store %arg6[%swap3A_694, %swap3A_695, %swap3A_696], %swap3A_699 {strides = array<i32>} : memref<1x1x1024xf32, #tpu.memory_space<vmem>>, vector<1x1x1024xf32>,
    return
  }
  func.func @transform_0(%arg0: i32) -> (i32, i32) {
    %c0_i32 = arith.constant 0 : i32
    %c0_i32_0 = arith.constant 0 : i32
    return %arg0, %c0_i32 : i32, i32
  }
  func.func @transform_1(%arg0: i32) -> (i32, i32) {
    %c0_i32 = arith.constant 0 : i32
    %c0_i32_0 = arith.constant 0 : i32
    %c0_i32_1 = arith.constant 0 : i32
    return %c0_i32, %c0_i32_0 : i32, i32
  }
  func.func @transform_2(%arg0: i32) -> (i32, i32) {
    %c0_i32 = arith.constant 0 : i32
    %c0_i32_0 = arith.constant 0 : i32
    return %arg0, %c0_i32 : i32, i32
  }
  func.func @transform_3(%arg0: i32) -> (i32, i32) {
    %c0_i32 = arith.constant 0 : i32
    %c0_i32_0 = arith.constant 0 : i32
    %c0_i32_1 = arith.constant 0 : i32
    return %c0_i32, %c0_i32_0 : i32, i32
  }
  func.func @transform_4(%arg0: i32) -> (i32, i32, i32) {
    %c0_i32 = arith.constant 0 : i32
    %c0_i32_0 = arith.constant 0 : i32
    %c0_i32_1 = arith.constant 0 : i32
    return %arg0, %c0_i32, %c0_i32_0 : i32, i32, i32
  }
  func.func @transform_5(%arg0: i32) -> (i32, i32, i32) {
    %c0_i32 = arith.constant 0 : i32
    %c0_i32_0 = arith.constant 0 : i32
    %c0_i32_1 = arith.constant 0 : i32
    return %arg0, %c0_i32, %c0_i32_0 : i32, i32, i32
  }
}

</mosaic_0001>

<sc_bundles>
// kernel: kernel.4.cloned.1.call-start
scs
__scs_entry_jumppad:
0x0: {  	(pc) =	sbr.rel $0x88, $3  }
0x1: {  	(tag) =	ssettag $0x0;
	lr =	simm.s32 $0x1  }
0x2: {  	[smem:$0x3F9F] =	sst lr;
	_ =	strace $0xD0000000  }
0x3: {  	_ = 	snop  }
0x4: {  	_ = 	snop  }
0x5: {  	_ = 	snop  }
0x6: {  	_ = 	snop  }
0x7: {  	_ = 	snop  }
__scs_overlays_trampoline_lowered:
0x8: {  	[smem:$0x3FAE] =	sst s0  }
0x9: {  	[smem:$0x3FAF] =	sst s1  }
0xa: {  	[smem:$0x3FB0] =	sst s2  }
0xb: {  	[smem:$0x3FB1] =	sst s3  }
0xc: {  	[smem:$0x3FB2] =	sst s4  }
0xd: {  	[smem:$0x3FB3] =	sst s5  }
0xe: {  	[smem:$0x3FB4] =	sst s6  }
0xf: {  	[smem:$0x3FB5] =	sst s7  }
0x10: {  	[smem:$0x3FB6] =	sst s8  }
0x11: {  	[smem:$0x3FB7] =	sst s9;
	s0 =	simm.s32 @!p0 $0x0  }
0x12: {  	s1 =	sld [smem:$0x3F9D];
	s0 =	simm.s32 @p0 $0x1  }
0x13: {  	[smem:$0x3FB8] =	sst s0;
	s0 =	simm.s32 @!p1 $0x0  }
0x14: {  	s2 =	sld [smem:$0x3F9C];
	s0 =	simm.s32 @p1 $0x1  }
0x15: {  	[smem:$0x3FB9] =	sst s0;
	s0 =	simm.s32 @!p2 $0x0  }
0x16: {  	s3 =	sld [smem:$0x3FDB];
	s0 =	simm.s32 @p2 $0x1  }
0x17: {  	s4 =	simm.s32 $0x1BF5;
	[smem:$0x3FBB] =	sst s0  }
0x18: {  	s0 =	sld [smem:$0x3F9E];
	_ =	swait.ge [sflag:s4], $0x0  }
0x19: {  	s7 =	sld [smem:$0x3F9F]  }
0x1a: {  	s8 =	sadd.s32 $0xFFFFE003, lr  }
0x1b: {  	s9 =	sadd.s32 $0xFFFFFEF7, lr;
	s5 =	simm.s32 $0xFFFFFFFF;
	p2 =	slt.u32 s8, $0xFFFFF086  }
0x1c: {  	p1 =	slt.u32 s9, $0xF7A;
	s5 =	simm.s32 @!p2 $0x0  }
0x1d: {  	s5 =	simm.s32 @p1 $0x1;
	p0 =	seq.s32 s7, s2  }
0x1e: {  	s7 =	smul.u32 @!p0 $0xF7A, s2;
	p2 =	seq.s32 @!p0 s5, $0x0  }
0x1f: {  	s9 =	smul.u32 $0xF7A, s1;
	s8 =	simm.s32 @!p0 $0x1BF5;
	p2 =	por !p2, p0  }
0x20: {  	[sflag:s8] =	ssyncset.s32 @!p0 $0xFFFFF086;
	s6 =	sadd.s32 @!p0 s3, s7;
	s7 =	simm.s32 @!p0 $0x108  }
0x21: {  	s3 =	sadd.s32 s3, s9;
	s6 =	sadd.s32 @!p0 $0x88, s6;
	s7 =	simm.s32 @p2 $0x1082  }
0x22: {  	[simem:s7], [sflag:s8] =	dma.local @!p0 [hbm:s6], $0xF7A  }
0x23: {  	s9 =	sor.u32 $0xD0000000, s2;
	s6 =	simm.s32 $0x108;
	_ =	swait.ge @!p0 [sflag:s8], $0x0  }
0x24: {  	s3 =	sadd.s32 $0x88, s3;
	s6 =	simm.s32 @!p1 $0x1082;
	[sflag:s4] =	ssyncset.s32 $0xFFFFF086  }
0x25: {  	[simem:s6], [sflag:s4] =	dma.local [hbm:s3], $0xF7A  }
0x26: {  	[smem:$0x3F9F] =	sst s1;
	(tag) =	ssettag s2;
	_ =	strace s9  }
0x27: {  	s1 =	sld [smem:$0x3FAF]  }
0x28: {  	s2 =	sld [smem:$0x3FB0]  }
0x29: {  	s4 =	sld [smem:$0x3FB2]  }
0x2a: {  	p0 =	seq.s32 s5, $0x0;
	s5 =	sld [smem:$0x3FB3]  }
0x2b: {  	s6 =	sld [smem:$0x3FB4]  }
0x2c: {  	s7 =	sld [smem:$0x3FB5]  }
0x2d: {  	s3 =	simm.s32 $0x108;
	s8 =	sld [smem:$0x3FB6]  }
0x2e: {  	s3 =	simm.s32 @!p0 $0x1082;
	s9 =	sld [smem:$0x3FB7]  }
0x2f: {  	lr =	sadd.s32 s0, s3;
	s0 =	sld [smem:$0x3FAE]  }
0x30: {  	s3 =	sld [smem:$0x3FB1]  }
0x31: {  	[smem:$0x3FBA] =	sst s10  }
0x32: {  	s10 =	sld [smem:$0x3FB8];
	_ =	sdelay $0x3  }
0x33: {  	p0 =	seq.s32 s10, $0x1;
	s10 =	sld [smem:$0x3FBA];
	_ =	sdelay $0x3  }
0x34: {  	[smem:$0x3FBA] =	sst s10  }
0x35: {  	s10 =	sld [smem:$0x3FB9];
	_ =	sdelay $0x3  }
0x36: {  	p1 =	seq.s32 s10, $0x1;
	s10 =	sld [smem:$0x3FBA];
	_ =	sdelay $0x3  }
0x37: {  	[smem:$0x3FBA] =	sst s10  }
0x38: {  	s10 =	sld [smem:$0x3FBB]  }
0x39: {  	_ = 	snop;
	(pc) =	sbr.ind lr, $3  }
0x3a: {  	_ = 	snop  }
0x3b: {  	_ = 	snop  }
0x3c: {  	p2 =	seq.s32 s10, $0x1;
	s10 =	sld [smem:$0x3FBA]  }
0x3d: {  	_ =	shalt  }
0x3e: {  	_ =	shalt  }
0x3f: {  	_ =	shalt  }
0x40: {  	_ =	shalt  }
0x41: {  	_ =	shalt  }
0x42: {  	_ =	shalt  }
0x43: {  	_ =	shalt  }
0x44: {  	_ =	shalt  }
0x45: {  	_ =	shalt  }
0x46: {  	_ =	shalt  }
0x47: {  	_ =	shalt  }
0x48: {  	_ =	shalt  }
0x49: {  	_ =	shalt  }
0x4a: {  	_ =	shalt  }
0x4b: {  	_ =	shalt  }
0x4c: {  	_ =	shalt  }
0x4d: {  	_ =	shalt  }
0x4e: {  	_ =	shalt  }
0x4f: {  	_ =	shalt  }
0x50: {  	_ =	shalt  }
0x51: {  	_ =	shalt  }
0x52: {  	_ =	shalt  }
0x53: {  	_ =	shalt  }
0x54: {  	_ =	shalt  }
0x55: {  	_ =	shalt  }
0x56: {  	_ =	shalt  }
0x57: {  	_ =	shalt  }
0x58: {  	_ =	shalt  }
0x59: {  	_ =	shalt  }
0x5a: {  	_ =	shalt  }
0x5b: {  	_ =	shalt  }
0x5c: {  	_ =	shalt  }
0x5d: {  	_ =	shalt  }
0x5e: {  	_ =	shalt  }
0x5f: {  	_ =	shalt  }
0x60: {  	_ =	shalt  }
0x61: {  	_ =	shalt  }
0x62: {  	_ =	shalt  }
0x63: {  	_ =	shalt  }
0x64: {  	_ =	shalt  }
0x65: {  	_ =	shalt  }
0x66: {  	_ =	shalt  }
0x67: {  	_ =	shalt  }
0x68: {  	_ =	shalt  }
0x69: {  	_ =	shalt  }
0x6a: {  	_ =	shalt  }
0x6b: {  	_ =	shalt  }
0x6c: {  	_ =	shalt  }
0x6d: {  	_ =	shalt  }
0x6e: {  	_ =	shalt  }
0x6f: {  	_ =	shalt  }
0x70: {  	_ =	shalt  }
0x71: {  	_ =	shalt  }
0x72: {  	_ =	shalt  }
0x73: {  	_ =	shalt  }
0x74: {  	_ =	shalt  }
0x75: {  	_ =	shalt  }
0x76: {  	_ =	shalt  }
0x77: {  	_ =	shalt  }
0x78: {  	_ =	shalt  }
0x79: {  	_ =	shalt  }
0x7a: {  	_ =	shalt  }
0x7b: {  	_ =	shalt  }
0x7c: {  	_ =	shalt  }
0x7d: {  	_ =	shalt  }
0x7e: {  	_ =	shalt  }
0x7f: {  	_ =	shalt  }
0x80: {  	_ =	shalt  }
0x81: {  	_ =	shalt  }
0x82: {  	_ =	shalt  }
0x83: {  	_ =	shalt  }
0x84: {  	_ =	shalt  }
0x85: {  	_ =	shalt  }
0x86: {  	_ =	shalt  }
0x87: {  	_ =	shalt  }
.Lfunc_end0:
.L_simem_size_0:
called_computation_lowered:
.L_overlay_start_0:
0x88: {  	s2 =	sld [smem:$0x3FD9]  }
0x89: {  	s3 =	sld [smem:$0x3FFE];
	_ =	sdelay $0x1  }
0x8a: {  	s1 =	srdreg.scid  }
0x8b: {  	s0 =	sand.u32 $0x1, s1  }
0x8c: {  	s14 =	sshll.u32 s0, $0xA;
	s2 =	sadd.s32 s3, s2  }
0x8d: {  	s2 =	sadd.s32 s2, s14  }
0x8e: {  	[smem:$0x3FC6] =	sst s2  }
0x8f: {  	_ = 	snop  }
0x90: {  	s2 =	sld [smem:$0x3FD0];
	_ =	sdelay $0x2  }
0x91: {  	s4 =	simm.s32 $0xA;
	s5 =	simm.s32 $0x10;
	s15 =	sld [smem:$0x3FC8]  }
0x92: {  	[smem:s5], [sflag:s4] =	dma.local [hbm:s2], $0x1  }
0x93: {  	_ =	swait.eq [sflag:s4], $0x1  }
0x94: {  	[sflag:s4] =	ssyncset.done $0x0  }
0x95: {  	[sflag:s4] =	ssyncadd.s32 $0xFFFFFFFF  }
0x96: {  	s16 =	sld [smem:$0x10];
	(tm) =	ssettm $0x1  }
0x97: {  	s17 =	sld [smem:$0x3FFB];
	_ =	sdelay $0x3  }
0x98: {  	_ =	strace s17  }
0x99: {  	s4 =	sld [smem:$0x3FFC];
	_ =	sdelay $0x3  }
0x9a: {  	_ =	strace s4  }
0x9b: {  	s4 =	sld [smem:$0x3FFD];
	_ =	sdelay $0x3  }
0x9c: {  	_ =	strace s4  }
0x9d: {  	_ =	strace $0x8FFFFFFF  }
0x9e: {  	s18 =	sld [smem:$0x3FDB];
	_ =	sdelay $0x1  }
0x9f: {  	s19 =	simm.s32 $_scs_section_size  }
0xa0: {  	s6 =	simm.s32 $_size__tile_overlayer_lowered;
	s7 =	simm.s32 $_tile_overlayer_lowered  }
0xa1: {  	s22 =	simm.s32 $0x1BFF;
	s21 =	sshll.u32 s7, $0x1;
	s4 =	sadd.s32 s19, s18  }
0xa2: {  	s8 =	simm.s32 $0x0;
	s20 =	sshll.u32 s6, $0x1;
	s6 =	sadd.s32 s21, s4  }
0xa3: {  	[timem:s8], [sflag:s22] =	dma.local [hbm:s6], s20  }
0xa4: {  	_ =	swait.ge [sflag:s22], s20  }
0xa5: {  	s5 =	ssub.s32 $0x0, s20;
	[sflag:s22] =	ssyncset.done $0x0  }
0xa6: {  	[sflag:s22] =	ssyncadd.s32 s5;
	_ =	sdelay $0x1  }
0xa7: {  	s23 =	simm.s32 $0x1B8B  }
0xa8: {  	_ =	swait.ge [sflag:s23], $0x1  }
0xa9: {  	[sflag:s23] =	ssyncset.done $0x0  }
0xaa: {  	s25 =	simm.s32 $0x1B8E;
	s24 =	sld [smem:$0x3FFE];
	[sflag:s23] =	ssyncadd.s32 $0xFFFFFFFF  }
0xab: {  	s26 =	simm.s32 $execute0_lowered;
	[smem:$0x3FD2] =	sst s25  }
0xac: {  	s6 =	sshll.u32 s26, $0x1;
	_ =	strace $0x80000046;
	[dreg:$0x1] =	wrdreg $0xFFFFFFFF  }
0xad: {  	s28 =	simm.s32 $_size_execute0_lowered;
	s4 =	sadd.s32 s4, s6;
	[dreg:$0x0] =	wrdreg $0x0  }
0xae: {  	s6 =	sshll.u32 s28, $0x1;
	[dreg:$0x2] =	wrdreg s4  }
0xaf: {  	[dreg:$0x3] =	wrdreg s6  }
0xb0: {  	[dreg:$0x4] =	wrdreg $0xC0  }
0xb1: {  	_ =	task [dreg:s8], $0x5FFFF  }
0xb2: {  	[dreg:$0x1] =	wrdreg $0xFFFFFFFF  }
0xb3: {  	[dreg:$0x0] =	wrdreg $0x60  }
0xb4: {  	[dreg:$0x2] =	wrdreg s15  }
0xb5: {  	[dreg:$0x3] =	wrdreg s24  }
0xb6: {  	[dreg:$0x4] =	wrdreg s16  }
0xb7: {  	[dreg:$0x5] =	wrdreg $0x9  }
0xb8: {  	_ =	task.clear_ibuf [dreg:s8], $0x6FFFF;
	_ =	strace $0x90000046  }
0xb9: {  	s29 =	simm.s32 $0x9;
	_ =	strace $0x80000048  }
0xba: {  	_ =	swait.ge [sflag:s29], $0x1  }
0xbb: {  	[sflag:s29] =	ssyncadd.s32 $0xFFFFFFFF  }
0xbc: {  	_ =	strace $0x90000048  }
0xbd: {  	_ =	sfence  }
0xbe: {  	s30 =	sld [smem:$0x0];
	_ =	sdelay $0x2  }
0xbf: {  	s31 =	sshll.u32 s1, $0xD;
	s1 =	sshrl.u32 s1, $0x2  }
0xc0: {  	s3 =	sand.u32 $0x4000, s31;
	s1 =	sadd.s32 s1, s30  }
0xc1: {  	s0 =	sor.u32 s3, s0;
	s1 =	sshll.u32 s1, $0x11  }
0xc2: {  	s0 =	sor.u32 s1, s0  }
0xc3: {  	s0 =	sadd.s32 $0x8F2B, s0  }
0xc4: {  	[sflag:s0] =	ssyncadd.remote.s32 $0x1  }
0xc5: {  	_ =	sfence.sel $0xFFFF  }
0xc6: {  	[dreg:$0x0] =	wrdreg $0xFFFFFFFF;
	(pc) =	sbr.abs _section_cstart, $3  }
0xc7: {  	[dreg:$0x1] =	wrdreg $0xFFFFFFFF  }
0xc8: {  	_ =	task.clear_ibuf [dreg:s8], $0x2FFFF;
	_ =	strace $0x9FFFFFFF  }
0xc9: {  	(tm) =	ssettm $0x7FFFFFFF  }
tec
execute0_lowered:
.L_overlay_start_1:
0x0: {  	(tag) =	ssettag $0x1  }
0x1: {  	s1 =	rddreg [dreg:$0x0]  }
0x2: {  	s2 =	srdreg.scid;
	s4 =	rddreg [dreg:$0x1]  }
0x3: {  	s0 =	stileid.u32;
	s5 =	rddreg [dreg:$0x2]  }
0x4: {  	s3 =	simm.s32 $0x0;
	s19 =	simm.s32 $0x900;
	s20 =	simm.s32 $0x1100  }
0x5: {  	s21 =	simm.s32 $0x1900;
	s23 =	simm.s32 $0x2100;
	s24 =	simm.s32 $0x2900  }
0x6: {  	s25 =	simm.s32 $0x3100;
	s26 =	simm.s32 $0x3900;
	s8 =	simm.s32 $0x4900  }
0x7: {  	s9 =	simm.s32 $0x5100;
	s10 =	simm.s32 $0x5900;
	s11 =	simm.s32 $0x6100  }
0x8: {  	s12 =	simm.s32 $0x6900;
	s13 =	simm.s32 $0x7100;
	[smem:$0x7FF] =	sst s3  }
0x9: {  	s14 =	simm.s32 $0x7900;
	_ =	strace $0x80000047;
	[dreg:$0x6] =	wrdreg s19  }
0xa: {  	s15 =	simm.s32 $0x8100;
	s16 =	simm.s32 $0x8900;
	[dreg:$0x7] =	wrdreg s20  }
0xb: {  	s17 =	simm.s32 $0x9100;
	s28 =	simm.s32 $0xE100;
	[dreg:$0x8] =	wrdreg s21  }
0xc: {  	s29 =	simm.s32 $0xE900;
	s30 =	simm.s32 $0xF100;
	[dreg:$0x9] =	wrdreg s23  }
0xd: {  	s31 =	simm.s32 $0xF900;
	s2 =	sand.u32 $0x1, s2;
	[dreg:$0xa] =	wrdreg s24  }
0xe: {  	s6 =	sshll.u32 s0, $0x9;
	s7 =	sshll.u32 s2, $0x8;
	[dreg:$0xb] =	wrdreg s25  }
0xf: {  	s2 =	ssub.s32 $0x2, s2;
	[dreg:$0xc] =	wrdreg s26;
	s19 =	simm.s32 $0xA100  }
0x10: {  	s20 =	simm.s32 $0xA900;
	s21 =	simm.s32 $0xB100;
	s23 =	simm.s32 $0xC100  }
0x11: {  	s24 =	simm.s32 $0xC900;
	s25 =	simm.s32 $0xD100;
	s6 =	sor.u32 s7, s6  }
0x12: {  	s26 =	simm.s32 $0xD900;
	s22 =	sshrl.u32 s2, $0x1;
	s7 =	sshrl.u32 s6, $0x3  }
0x13: {  	s6 =	sshll.u32 s6, $0x5;
	s2 =	ssub.s32 s2, s22;
	s4 =	sadd.s32 s4, s7  }
0x14: {  	v2 =	vlaneseq.u32;
	s22 =	simm.s32 $0xB900;
	s18 =	sadd.s32 s5, s6;
	[dreg:$0x4] =	wrdreg s4  }
0x15: {  	vm0 =	vmmov $0xffff;
	v1 =	vshrl.u32 v2, $0x3;
	s5 =	simm.s32 $0x2;
	s6 =	simm.s32 $0x100;
	[dreg:$0x5] =	wrdreg s18  }
0x16: {  	v0 =	vand.u32 $0x7, v2;
	v2 =	vor.u32 $0x8, v2;
	v1 =	vmul.u32 $0x8, v1;
	s4 =	smax.u32 s2, $0x1;
	s18 =	simm.s32 $0x9900;
	s2 =	simm.s32 $0x1  }
.LBB2_1:
0x17: {  	s0 =	rddreg [dreg:$0x4]  }
0x18: {  	[tilespmem:s3], [sflag:$0x2] =	stream.linear.gather [hbm4b:s0+s3], $0x100, $0x38;
	[tilespmem:$0x10100] =	vst v63  }
0x19: {  	_ =	swait.ge [sflag:s5], $0x100  }
0x1a: {  	[sflag:s5] =	ssyncset.done $0x0  }
0x1b: {  	[sflag:s5] =	ssyncadd.s32 $0xFFFFFF00  }
0x1c: {  	v3 =	vld [tilespmem:$0x0];
	_ =	sdelay $0x4  }
0x1d: {  	v4 =	vshll.u32 v3, $0x1  }
0x1e: {  	v3 =	vand.u32 $0x7, v3;
	v4 =	vand.u32 $0xFFFFFFF0, v4  }
0x1f: {  	v3 =	vor.u32 v3, v4  }
0x20: {  	v4 =	vperm.xlane v3, v0;
	_ =	sdelay $0x1  }
0x21: {  	v3 =	vperm.xlane v3, v2;
	v4 =	vadd.s32 v1, v4;
	_ =	sdelay $0x1  }
0x22: {  	v3 =	vadd.s32 v1, v3;
	_ =	sdelay $0x2  }
0x23: {  	[tilespmem:s6], [sflag:$0x1] =	stream.indirect_vreg.gather [hbm4b:s1+s3], $0x80, v4, vm0, $0xb8;
	[tilespmem:$0x10100] =	vst v63  }
0x24: {  	s7 =	rddreg [dreg:$0x6]  }
0x25: {  	[tilespmem:s7], [sflag:$0x1] =	stream.indirect_vreg.gather [hbm4b:s1+s3], $0x80, v3, vm0, $0xb8;
	[tilespmem:$0x10100] =	vst v63  }
0x26: {  	v3 =	vld [tilespmem:$0x10];
	_ =	sdelay $0x4  }
0x27: {  	v49 =	vshll.u32 v3, $0x1  }
0x28: {  	v3 =	vand.u32 $0x7, v3;
	v4 =	vand.u32 $0xFFFFFFF0, v49  }
0x29: {  	v3 =	vor.u32 v3, v4  }
0x2a: {  	v4 =	vperm.xlane v3, v0;
	_ =	sdelay $0x1  }
0x2b: {  	v3 =	vperm.xlane v3, v2;
	v4 =	vadd.s32 v1, v4;
	_ =	sdelay $0x1  }
0x2c: {  	v3 =	vadd.s32 v1, v3;
	_ =	sdelay $0x1  }
0x2d: {  	s0 =	rddreg [dreg:$0x7]  }
0x2e: {  	[tilespmem:s0], [sflag:$0x1] =	stream.indirect_vreg.gather [hbm4b:s1+s3], $0x80, v4, vm0, $0xb8;
	[tilespmem:$0x10100] =	vst v63  }
0x2f: {  	s7 =	rddreg [dreg:$0x8]  }
0x30: {  	[tilespmem:s7], [sflag:$0x1] =	stream.indirect_vreg.gather [hbm4b:s1+s3], $0x80, v3, vm0, $0xb8;
	[tilespmem:$0x10100] =	vst v63  }
0x31: {  	v3 =	vld [tilespmem:$0x20];
	_ =	sdelay $0x4  }
0x32: {  	v50 =	vshll.u32 v3, $0x1  }
0x33: {  	v3 =	vand.u32 $0x7, v3;
	v4 =	vand.u32 $0xFFFFFFF0, v50  }
0x34: {  	v3 =	vor.u32 v3, v4  }
0x35: {  	v4 =	vperm.xlane v3, v0;
	_ =	sdelay $0x1  }
0x36: {  	v3 =	vperm.xlane v3, v2;
	v4 =	vadd.s32 v1, v4;
	_ =	sdelay $0x1  }
0x37: {  	v3 =	vadd.s32 v1, v3;
	_ =	sdelay $0x1  }
0x38: {  	s0 =	rddreg [dreg:$0x9]  }
0x39: {  	[tilespmem:s0], [sflag:$0x1] =	stream.indirect_vreg.gather [hbm4b:s1+s3], $0x80, v4, vm0, $0xb8;
	[tilespmem:$0x10100] =	vst v63  }
0x3a: {  	s7 =	rddreg [dreg:$0xa]  }
0x3b: {  	[tilespmem:s7], [sflag:$0x1] =	stream.indirect_vreg.gather [hbm4b:s1+s3], $0x80, v3, vm0, $0xb8;
	[tilespmem:$0x10100] =	vst v63  }
0x3c: {  	v3 =	vld [tilespmem:$0x30];
	_ =	sdelay $0x4  }
0x3d: {  	v51 =	vshll.u32 v3, $0x1  }
0x3e: {  	v3 =	vand.u32 $0x7, v3;
	v4 =	vand.u32 $0xFFFFFFF0, v51  }
0x3f: {  	v3 =	vor.u32 v3, v4  }
0x40: {  	v4 =	vperm.xlane v3, v0;
	_ =	sdelay $0x1  }
0x41: {  	v3 =	vperm.xlane v3, v2;
	v4 =	vadd.s32 v1, v4;
	_ =	sdelay $0x1  }
0x42: {  	v3 =	vadd.s32 v1, v3;
	_ =	sdelay $0x1  }
0x43: {  	s0 =	rddreg [dreg:$0xb]  }
0x44: {  	[tilespmem:s0], [sflag:$0x1] =	stream.indirect_vreg.gather [hbm4b:s1+s3], $0x80, v4, vm0, $0xb8;
	[tilespmem:$0x10100] =	vst v63  }
0x45: {  	s7 =	rddreg [dreg:$0xc]  }
0x46: {  	[tilespmem:s7], [sflag:$0x1] =	stream.indirect_vreg.gather [hbm4b:s1+s3], $0x80, v3, vm0, $0xb8;
	[tilespmem:$0x10100] =	vst v63  }
0x47: {  	v3 =	vld [tilespmem:$0x40];
	_ =	sdelay $0x4  }
0x48: {  	v52 =	vshll.u32 v3, $0x1  }
0x49: {  	v3 =	vand.u32 $0x7, v3;
	v4 =	vand.u32 $0xFFFFFFF0, v52  }
0x4a: {  	v3 =	vor.u32 v3, v4  }
0x4b: {  	v4 =	vperm.xlane v3, v0;
	_ =	sdelay $0x1  }
0x4c: {  	v3 =	vperm.xlane v3, v2;
	v4 =	vadd.s32 v1, v4;
	_ =	sdelay $0x1  }
0x4d: {  	v3 =	vadd.s32 v1, v3;
	_ =	sdelay $0x1  }
0x4e: {  	s7 =	simm.s32 $0x4100  }
0x4f: {  	[tilespmem:s7], [sflag:$0x1] =	stream.indirect_vreg.gather [hbm4b:s1+s3], $0x80, v4, vm0, $0xb8;
	[tilespmem:$0x10100] =	vst v63  }
0x50: {  	_ = 	snop  }
0x51: {  	[tilespmem:s8], [sflag:$0x1] =	stream.indirect_vreg.gather [hbm4b:s1+s3], $0x80, v3, vm0, $0xb8;
	[tilespmem:$0x10100] =	vst v63  }
0x52: {  	v3 =	vld [tilespmem:$0x50];
	_ =	sdelay $0x4  }
0x53: {  	v53 =	vshll.u32 v3, $0x1  }
0x54: {  	v3 =	vand.u32 $0x7, v3;
	v4 =	vand.u32 $0xFFFFFFF0, v53  }
0x55: {  	v3 =	vor.u32 v3, v4  }
0x56: {  	v4 =	vperm.xlane v3, v0;
	_ =	sdelay $0x1  }
0x57: {  	v3 =	vperm.xlane v3, v2;
	v4 =	vadd.s32 v1, v4;
	_ =	sdelay $0x1  }
0x58: {  	v3 =	vadd.s32 v1, v3;
	_ =	sdelay $0x2  }
0x59: {  	[tilespmem:s9], [sflag:$0x1] =	stream.indirect_vreg.gather [hbm4b:s1+s3], $0x80, v4, vm0, $0xb8;
	[tilespmem:$0x10100] =	vst v63  }
0x5a: {  	_ = 	snop  }
0x5b: {  	[tilespmem:s10], [sflag:$0x1] =	stream.indirect_vreg.gather [hbm4b:s1+s3], $0x80, v3, vm0, $0xb8;
	[tilespmem:$0x10100] =	vst v63  }
0x5c: {  	v3 =	vld [tilespmem:$0x60];
	_ =	sdelay $0x4  }
0x5d: {  	v54 =	vshll.u32 v3, $0x1  }
0x5e: {  	v3 =	vand.u32 $0x7, v3;
	v4 =	vand.u32 $0xFFFFFFF0, v54  }
0x5f: {  	v3 =	vor.u32 v3, v4  }
0x60: {  	v4 =	vperm.xlane v3, v0;
	_ =	sdelay $0x1  }
0x61: {  	v3 =	vperm.xlane v3, v2;
	v4 =	vadd.s32 v1, v4;
	_ =	sdelay $0x1  }
0x62: {  	v3 =	vadd.s32 v1, v3;
	_ =	sdelay $0x2  }
0x63: {  	[tilespmem:s11], [sflag:$0x1] =	stream.indirect_vreg.gather [hbm4b:s1+s3], $0x80, v4, vm0, $0xb8;
	[tilespmem:$0x10100] =	vst v63  }
0x64: {  	_ = 	snop  }
0x65: {  	[tilespmem:s12], [sflag:$0x1] =	stream.indirect_vreg.gather [hbm4b:s1+s3], $0x80, v3, vm0, $0xb8;
	[tilespmem:$0x10100] =	vst v63  }
0x66: {  	v3 =	vld [tilespmem:$0x70];
	_ =	sdelay $0x4  }
0x67: {  	v55 =	vshll.u32 v3, $0x1  }
0x68: {  	v3 =	vand.u32 $0x7, v3;
	v4 =	vand.u32 $0xFFFFFFF0, v55  }
0x69: {  	v3 =	vor.u32 v3, v4  }
0x6a: {  	v4 =	vperm.xlane v3, v0;
	_ =	sdelay $0x1  }
0x6b: {  	v3 =	vperm.xlane v3, v2;
	v4 =	vadd.s32 v1, v4;
	_ =	sdelay $0x1  }
0x6c: {  	v3 =	vadd.s32 v1, v3;
	_ =	sdelay $0x2  }
0x6d: {  	[tilespmem:s13], [sflag:$0x1] =	stream.indirect_vreg.gather [hbm4b:s1+s3], $0x80, v4, vm0, $0xb8;
	[tilespmem:$0x10100] =	vst v63  }
0x6e: {  	_ = 	snop  }
0x6f: {  	[tilespmem:s14], [sflag:$0x1] =	stream.indirect_vreg.gather [hbm4b:s1+s3], $0x80, v3, vm0, $0xb8;
	[tilespmem:$0x10100] =	vst v63  }
0x70: {  	v3 =	vld [tilespmem:$0x80];
	_ =	sdelay $0x4  }
0x71: {  	v56 =	vshll.u32 v3, $0x1  }
0x72: {  	v3 =	vand.u32 $0x7, v3;
	v4 =	vand.u32 $0xFFFFFFF0, v56  }
0x73: {  	v3 =	vor.u32 v3, v4  }
0x74: {  	v4 =	vperm.xlane v3, v0;
	_ =	sdelay $0x1  }
0x75: {  	v3 =	vperm.xlane v3, v2;
	v4 =	vadd.s32 v1, v4;
	_ =	sdelay $0x1  }
0x76: {  	v3 =	vadd.s32 v1, v3;
	_ =	sdelay $0x2  }
0x77: {  	[tilespmem:s15], [sflag:$0x1] =	stream.indirect_vreg.gather [hbm4b:s1+s3], $0x80, v4, vm0, $0xb8;
	[tilespmem:$0x10100] =	vst v63  }
0x78: {  	_ = 	snop  }
0x79: {  	[tilespmem:s16], [sflag:$0x1] =	stream.indirect_vreg.gather [hbm4b:s1+s3], $0x80, v3, vm0, $0xb8;
	[tilespmem:$0x10100] =	vst v63  }
0x7a: {  	v3 =	vld [tilespmem:$0x90];
	_ =	sdelay $0x4  }
0x7b: {  	v57 =	vshll.u32 v3, $0x1  }
0x7c: {  	v3 =	vand.u32 $0x7, v3;
	v4 =	vand.u32 $0xFFFFFFF0, v57  }
0x7d: {  	v3 =	vor.u32 v3, v4  }
0x7e: {  	v4 =	vperm.xlane v3, v0;
	_ =	sdelay $0x1  }
0x7f: {  	v3 =	vperm.xlane v3, v2;
	v4 =	vadd.s32 v1, v4;
	_ =	sdelay $0x1  }
0x80: {  	v3 =	vadd.s32 v1, v3;
	_ =	sdelay $0x2  }
0x81: {  	[tilespmem:s17], [sflag:$0x1] =	stream.indirect_vreg.gather [hbm4b:s1+s3], $0x80, v4, vm0, $0xb8;
	[tilespmem:$0x10100] =	vst v63  }
0x82: {  	_ = 	snop  }
0x83: {  	[tilespmem:s18], [sflag:$0x1] =	stream.indirect_vreg.gather [hbm4b:s1+s3], $0x80, v3, vm0, $0xb8;
	[tilespmem:$0x10100] =	vst v63  }
0x84: {  	v3 =	vld [tilespmem:$0xA0];
	_ =	sdelay $0x4  }
0x85: {  	v58 =	vshll.u32 v3, $0x1  }
0x86: {  	v3 =	vand.u32 $0x7, v3;
	v4 =	vand.u32 $0xFFFFFFF0, v58  }
0x87: {  	v3 =	vor.u32 v3, v4  }
0x88: {  	v4 =	vperm.xlane v3, v0;
	_ =	sdelay $0x1  }
0x89: {  	v3 =	vperm.xlane v3, v2;
	v4 =	vadd.s32 v1, v4;
	_ =	sdelay $0x1  }
0x8a: {  	v3 =	vadd.s32 v1, v3;
	_ =	sdelay $0x2  }
0x8b: {  	[tilespmem:s19], [sflag:$0x1] =	stream.indirect_vreg.gather [hbm4b:s1+s3], $0x80, v4, vm0, $0xb8;
	[tilespmem:$0x10100] =	vst v63  }
0x8c: {  	_ = 	snop  }
0x8d: {  	[tilespmem:s20], [sflag:$0x1] =	stream.indirect_vreg.gather [hbm4b:s1+s3], $0x80, v3, vm0, $0xb8;
	[tilespmem:$0x10100] =	vst v63  }
0x8e: {  	v3 =	vld [tilespmem:$0xB0];
	_ =	sdelay $0x4  }
0x8f: {  	v59 =	vshll.u32 v3, $0x1  }
0x90: {  	v3 =	vand.u32 $0x7, v3;
	v4 =	vand.u32 $0xFFFFFFF0, v59  }
0x91: {  	v3 =	vor.u32 v3, v4  }
0x92: {  	v4 =	vperm.xlane v3, v0;
	_ =	sdelay $0x1  }
0x93: {  	v3 =	vperm.xlane v3, v2;
	v4 =	vadd.s32 v1, v4;
	_ =	sdelay $0x1  }
0x94: {  	v3 =	vadd.s32 v1, v3;
	_ =	sdelay $0x2  }
0x95: {  	[tilespmem:s21], [sflag:$0x1] =	stream.indirect_vreg.gather [hbm4b:s1+s3], $0x80, v4, vm0, $0xb8;
	[tilespmem:$0x10100] =	vst v63  }
0x96: {  	_ = 	snop  }
0x97: {  	[tilespmem:s22], [sflag:$0x1] =	stream.indirect_vreg.gather [hbm4b:s1+s3], $0x80, v3, vm0, $0xb8;
	[tilespmem:$0x10100] =	vst v63  }
0x98: {  	v3 =	vld [tilespmem:$0xC0];
	_ =	sdelay $0x4  }
0x99: {  	v60 =	vshll.u32 v3, $0x1  }
0x9a: {  	v3 =	vand.u32 $0x7, v3;
	v4 =	vand.u32 $0xFFFFFFF0, v60  }
0x9b: {  	v3 =	vor.u32 v3, v4  }
0x9c: {  	v4 =	vperm.xlane v3, v0;
	_ =	sdelay $0x1  }
0x9d: {  	v3 =	vperm.xlane v3, v2;
	v4 =	vadd.s32 v1, v4;
	_ =	sdelay $0x1  }
0x9e: {  	v3 =	vadd.s32 v1, v3;
	_ =	sdelay $0x2  }
0x9f: {  	[tilespmem:s23], [sflag:$0x1] =	stream.indirect_vreg.gather [hbm4b:s1+s3], $0x80, v4, vm0, $0xb8;
	[tilespmem:$0x10100] =	vst v63  }
0xa0: {  	_ = 	snop  }
0xa1: {  	[tilespmem:s24], [sflag:$0x1] =	stream.indirect_vreg.gather [hbm4b:s1+s3], $0x80, v3, vm0, $0xb8;
	[tilespmem:$0x10100] =	vst v63  }
0xa2: {  	v3 =	vld [tilespmem:$0xD0];
	_ =	sdelay $0x4  }
0xa3: {  	v61 =	vshll.u32 v3, $0x1  }
0xa4: {  	v3 =	vand.u32 $0x7, v3;
	v4 =	vand.u32 $0xFFFFFFF0, v61  }
0xa5: {  	v3 =	vor.u32 v3, v4  }
0xa6: {  	v4 =	vperm.xlane v3, v0;
	_ =	sdelay $0x1  }
0xa7: {  	v3 =	vperm.xlane v3, v2;
	v4 =	vadd.s32 v1, v4;
	_ =	sdelay $0x1  }
0xa8: {  	v3 =	vadd.s32 v1, v3;
	_ =	sdelay $0x2  }
0xa9: {  	[tilespmem:s25], [sflag:$0x1] =	stream.indirect_vreg.gather [hbm4b:s1+s3], $0x80, v4, vm0, $0xb8;
	[tilespmem:$0x10100] =	vst v63  }
0xaa: {  	_ = 	snop  }
0xab: {  	[tilespmem:s26], [sflag:$0x1] =	stream.indirect_vreg.gather [hbm4b:s1+s3], $0x80, v3, vm0, $0xb8;
	[tilespmem:$0x10100] =	vst v63  }
0xac: {  	v3 =	vld [tilespmem:$0xE0];
	_ =	sdelay $0x4  }
0xad: {  	v62 =	vshll.u32 v3, $0x1  }
0xae: {  	v3 =	vand.u32 $0x7, v3;
	v4 =	vand.u32 $0xFFFFFFF0, v62  }
0xaf: {  	v3 =	vor.u32 v3, v4  }
0xb0: {  	v4 =	vperm.xlane v3, v0;
	_ =	sdelay $0x1  }
0xb1: {  	v3 =	vperm.xlane v3, v2;
	v4 =	vadd.s32 v1, v4;
	_ =	sdelay $0x1  }
0xb2: {  	v3 =	vadd.s32 v1, v3;
	_ =	sdelay $0x2  }
0xb3: {  	[tilespmem:s28], [sflag:$0x1] =	stream.indirect_vreg.gather [hbm4b:s1+s3], $0x80, v4, vm0, $0xb8;
	[tilespmem:$0x10100] =	vst v63  }
0xb4: {  	_ = 	snop  }
0xb5: {  	[tilespmem:s29], [sflag:$0x1] =	stream.indirect_vreg.gather [hbm4b:s1+s3], $0x80, v3, vm0, $0xb8;
	[tilespmem:$0x10100] =	vst v63  }
0xb6: {  	v3 =	vld [tilespmem:$0xF0];
	_ =	sdelay $0x4  }
0xb7: {  	v63 =	vshll.u32 v3, $0x1  }
0xb8: {  	v3 =	vand.u32 $0x7, v3;
	v4 =	vand.u32 $0xFFFFFFF0, v63  }
0xb9: {  	v3 =	vor.u32 v3, v4  }
0xba: {  	v4 =	vperm.xlane v3, v0;
	_ =	sdelay $0x1  }
0xbb: {  	v3 =	vperm.xlane v3, v2;
	v4 =	vadd.s32 v1, v4;
	_ =	sdelay $0x1  }
0xbc: {  	v3 =	vadd.s32 v1, v3;
	_ =	sdelay $0x2  }
0xbd: {  	[tilespmem:s30], [sflag:$0x1] =	stream.indirect_vreg.gather [hbm4b:s1+s3], $0x80, v4, vm0, $0xb8;
	[tilespmem:$0x10100] =	vst v63  }
0xbe: {  	_ = 	snop  }
0xbf: {  	[tilespmem:s31], [sflag:$0x1] =	stream.indirect_vreg.gather [hbm4b:s1+s3], $0x80, v3, vm0, $0xb8;
	[tilespmem:$0x10100] =	vst v63  }
0xc0: {  	_ =	swait.ge [sflag:s2], $0x10000  }
0xc1: {  	p0 =	sne.s32 s4, $0x1;
	[sflag:s2] =	ssyncset.done $0x0  }
.Ltmp0:
0xc2: {  	s7 =	rddreg [dreg:$0x5];
	[sflag:s2] =	ssyncadd.s32 $0xFFFF0000;
	(pc) =	sbr.rel @p0 .LBB2_1-.Ltmp0, $4  }
0xc3: {  	[hbm4b:s7+s3] =	stream.linear.scatter [tilespmem:s6], [sflag:$0x2], $0x10000, $0x38;
	[tilespmem:$0x10100] =	vst v63  }
0xc4: {  	_ =	swait.ge [sflag:s5], $0x10000  }
0xc5: {  	[sflag:s5] =	ssyncset.done $0x0  }
0xc6: {  	s4 =	sadd.s32 $0xFFFFFFFF, s4;
	[sflag:s5] =	ssyncadd.s32 $0xFFFF0000  }
0xc7: {  	_ =	sfence.sel $0x180000  }
0xc8: {  	[bflag:$0x0] =	sbarrier.arrive $0xFFFF  }
0xc9: {  	_ =	strace $0x90000047  }
0xca: {  	s0 =	stileid.u32;
	[bflag:$0x2] =	sbarrier.arrive $0xFFFF  }
0xcb: {  	p0 =	sne.s32 s0, $0x0;
	s0 =	rddreg [dreg:$0x3]  }
0xcc: {  	s0 =	sadd.s32 @!p0 $0x100000, s0  }
0xcd: {  	[sflag:s0] =	ssyncadd.tile.s32 @!p0 $0x1;
	_ =	shalt  }
.Lfunc_end2:
_tile_overlayer_lowered:
.L_overlay_start_2:
0xce: {  	(tag) =	ssettag $0x2  }
0xcf: {  	s0 =	rddreg [dreg:$0x0];
	s2 =	stileid.u32  }
0xd0: {  	s1 =	rddreg [dreg:$0x1];
	p0 =	sne.s32 s2, $0x0  }
0xd1: {  	s3 =	rddreg [dreg:$0x2];
	[bflag:$0x3] =	sbarrier.arrive $0xFFFF;
	s2 =	simm.s32 @!p0 $0x1C02  }
0xd2: {  	[timem:s3], [sflag:s2] =	dma.local @!p0 [hbm:s0], s1  }
0xd3: {  	s0 =	simm.s32 @!p0 $0x2  }
0xd4: {  	_ =	swait.ge @!p0 [sflag:s0], s1  }
0xd5: {  	s1 =	ssub.s32 @!p0 $0x0, s1;
	[sflag:s0] =	ssyncset.done @!p0 $0x0  }
0xd6: {  	[sflag:s0] =	ssyncadd.s32 @!p0 s1  }
0xd7: {  	[bflag:$0x3] =	sbarrier.arrive $0xFFFF  }
0xd8: {  	_ =	shalt  }

</sc_bundles>
